<compile_context>
chip_gen: v7x
topology: tpu7x:2x2x1
jax: 0.10.2.dev20260603
libtpu: 0.0.44.dev20260713+nightly
codegen_flags: <defaults>
</compile_context>

<pallas_src>
import functools

import jax
import jax.numpy as jnp
from jax import lax
from jax.experimental import pallas as pl
from jax.experimental.pallas import tpu as pltpu
from jax.experimental.pallas import tpu_sc as plsc

_HID = 128
_CLS = 10
_G = 64
_N = 10000
_NPAD = 10240
_E = 320000
_CHUNK = 128
_CPT = 79
_EPT = _CPT * _CHUNK
_EPAD = 32 * _EPT
_ROWS_PER_TILE = _NPAD // 16
_BIS_ITERS = 44


def _sc_scatter_body(feat_hbm, w_hbm, src_hbm, dst_hbm, out_hbm, outc_hbm,
                     sidx, didx, rows, wvec, cnt, acc, sem):
    c = lax.axis_index("c")
    s = lax.axis_index("s")
    wid = c * 16 + s

    pltpu.sync_copy(w_hbm, wvec)
    def zc(i, _):
        cnt[pl.ds(i * 16, 16)] = jnp.zeros((16,), jnp.float32)
        return 0
    lax.fori_loop(0, _NPAD // 16, zc, 0)

    def zr(r, _):
        def zrc(j, _):
            rows[r, pl.ds(j * 16, 16)] = jnp.zeros((16,), jnp.float32)
            return 0
        return lax.fori_loop(0, _HID // 16, zrc, 0)
    lax.fori_loop(0, _CHUNK, zr, 0)
    base_row = s * _ROWS_PER_TILE
    def zacc(j, _):
        pltpu.sync_copy(rows, acc.at[pl.ds(base_row + j * _CHUNK, _CHUNK)])
        return 0
    lax.fori_loop(0, _ROWS_PER_TILE // _CHUNK, zacc, 0)
    plsc.subcore_barrier()

    def body(i, _):
        off = wid * _EPT + i * _CHUNK
        pltpu.sync_copy(src_hbm.at[pl.ds(off, _CHUNK)], sidx)
        pltpu.sync_copy(dst_hbm.at[pl.ds(off, _CHUNK)], didx)
        pltpu.async_copy(feat_hbm.at[sidx], rows, sem).wait()
        pltpu.sync_copy(rows, acc.at[didx], add=True)
        for j in range(_CHUNK // 16):
            sj = sidx[pl.ds(j * 16, 16)]
            dj = didx[pl.ds(j * 16, 16)]
            wj = plsc.load_gather(wvec, [sj])
            plsc.addupdate_scatter(cnt, [dj], wj)
        return 0
    lax.fori_loop(0, _CPT, body, 0)

    plsc.subcore_barrier()
    pltpu.sync_copy(acc.at[pl.ds(base_row, _ROWS_PER_TILE)],
                    out_hbm.at[c, pl.ds(base_row, _ROWS_PER_TILE)])
    pltpu.sync_copy(cnt, outc_hbm.at[wid])


def _sc_scatter(feat, w, src, dst):
    mesh = plsc.VectorSubcoreMesh(core_axis_name="c", subcore_axis_name="s")
    f = pl.kernel(
        _sc_scatter_body,
        out_type=(
            jax.ShapeDtypeStruct((2, _NPAD, _HID), jnp.float32),
            jax.ShapeDtypeStruct((32, _NPAD), jnp.float32),
        ),
        mesh=mesh,
        scratch_types=[
            pltpu.VMEM((_CHUNK,), jnp.int32),
            pltpu.VMEM((_CHUNK,), jnp.int32),
            pltpu.VMEM((_CHUNK, _HID), jnp.float32),
            pltpu.VMEM((_NPAD,), jnp.float32),
            pltpu.VMEM((_NPAD,), jnp.float32),
            pltpu.VMEM_SHARED((_NPAD, _HID), jnp.float32),
            pltpu.SemaphoreType.DMA,
        ],
        compiler_params=pltpu.CompilerParams(needs_layout_passes=False),
    )
    return f(feat, w, src, dst)


def _h_body(aggp_ref, cntp_ref, xin_ref, wl_ref, wr_ref, b_ref, h_ref):
    agg = aggp_ref[0] + aggp_ref[1]
    ones32 = jnp.ones((32, 1), jnp.float32)
    cnt = lax.dot_general(cntp_ref[...], ones32, (((0,), (0,)), ((), ())))
    mean = agg / jnp.maximum(cnt, 1.0)
    h = (jnp.dot(mean, wl_ref[...], preferred_element_type=jnp.float32)
         + jnp.dot(xin_ref[...], wr_ref[...], preferred_element_type=jnp.float32)
         + b_ref[...])
    h_ref[...] = jnp.maximum(h, 0.0)


def _sage_h(aggp, cntp, xin, wl, wr, b):
    blk = 1024
    grid = _NPAD // blk
    return pl.pallas_call(
        _h_body,
        grid=(grid,),
        in_specs=[
            pl.BlockSpec((2, blk, _HID), lambda i: (0, i, 0)),
            pl.BlockSpec((32, blk), lambda i: (0, i)),
            pl.BlockSpec((blk, _HID), lambda i: (i, 0)),
            pl.BlockSpec((_HID, _HID), lambda i: (0, 0)),
            pl.BlockSpec((_HID, _HID), lambda i: (0, 0)),
            pl.BlockSpec((1, _HID), lambda i: (0, 0)),
        ],
        out_specs=pl.BlockSpec((blk, _HID), lambda i: (i, 0)),
        out_shape=jax.ShapeDtypeStruct((_NPAD, _HID), jnp.float32),
    )(aggp, cntp, xin, wl, wr, b)


def _pool_core(h, batch, pw, keep_prev, base):
    gids = lax.broadcasted_iota(jnp.int32, (1, _G), 1)
    bf = (batch == gids).astype(jnp.float32)
    norm = jnp.sqrt(jnp.sum(pw * pw))
    raw = lax.dot_general(h, pw, (((1,), (1,)), ((), ()))) / norm
    s = jnp.tanh(raw)
    s_eff = jnp.where(keep_prev, s, -2.0)
    k = jnp.floor((4.0 * base + 4.0) / 5.0)

    lo0 = jnp.full((_G, 1), -3.0, jnp.float32)
    hi0 = jnp.full((_G, 1), 1.0, jnp.float32)

    def bis(_, carry):
        lo, hi = carry
        mid = 0.5 * (lo + hi)
        thr = jnp.dot(bf, mid, preferred_element_type=jnp.float32)
        ind = (s_eff >= thr).astype(jnp.float32)
        cntg = lax.dot_general(bf, ind, (((0,), (0,)), ((), ())))
        pred = cntg >= k
        return jnp.where(pred, mid, lo), jnp.where(pred, hi, mid)

    lo, hi = lax.fori_loop(0, _BIS_ITERS, bis, (lo0, hi0))
    thr = jnp.dot(bf, lo, preferred_element_type=jnp.float32)
    keep = s_eff >= thr
    keepf = keep.astype(jnp.float32)
    xp = h * (s * keepf)
    gap = lax.dot_general(bf, xp, (((0,), (0,)), ((), ()))) / jnp.maximum(k, 1.0)
    return xp, keep, keepf, gap, k


def _write_gmp(gmp_ref, xp, batch, keep, k):
    def body(g, _):
        m = (batch == g) & keep
        col = jnp.max(jnp.where(m, xp, -1e30), axis=0, keepdims=True)
        gmp_ref[pl.ds(g, 1), :] = col
        return 0
    lax.fori_loop(0, _G, body, 0)
    gmp_ref[...] = jnp.where(k > 0, gmp_ref[...], 0.0)


def _pool1_body(h_ref, batch_ref, pw_ref, xp_ref, keep_ref, gap_ref, gmp_ref,
                ks_ref):
    h = h_ref[...]
    batch = batch_ref[...]
    valid = lax.broadcasted_iota(jnp.int32, (_NPAD, 1), 0) < _N
    gids = lax.broadcasted_iota(jnp.int32, (1, _G), 1)
    bf = (batch == gids).astype(jnp.float32)
    sizes = jnp.sum(bf, axis=0)[:, None]
    xp, keep, keepf, gap, k = _pool_core(h, batch, pw_ref[...], valid, sizes)
    xp_ref[...] = xp
    keep_ref[...] = keepf
    gap_ref[...] = gap
    ks_ref[...] = k
    _write_gmp(gmp_ref, xp, batch, keep, k)


def _pool2_body(h_ref, batch_ref, pw_ref, keep1_ref, ks1_ref, gap1_ref,
                gmp1_ref, fc1w_ref, fc1b_ref, fc2w_ref, fc2b_ref, out_ref,
                gmp_scr):
    h = h_ref[...]
    batch = batch_ref[...]
    valid = lax.broadcasted_iota(jnp.int32, (_NPAD, 1), 0) < _N
    keep1 = (keep1_ref[...] > 0.5) & valid
    xp, keep, keepf, gap2, k2 = _pool_core(h, batch, pw_ref[...], keep1,
                                           ks1_ref[...])
    _write_gmp(gmp_scr, xp, batch, keep, k2)
    zg = gap1_ref[...] + gap2
    zm = gmp1_ref[...] + gmp_scr[...]
    z = jnp.concatenate([zg, zm], axis=1)
    z = jnp.maximum(jnp.dot(z, fc1w_ref[...], preferred_element_type=jnp.float32)
                    + fc1b_ref[...], 0.0)
    out_ref[...] = (jnp.dot(z, fc2w_ref[...], preferred_element_type=jnp.float32)
                    + fc2b_ref[...])


def _pool1(h, batchc, pw):
    return pl.pallas_call(
        _pool1_body,
        out_shape=(
            jax.ShapeDtypeStruct((_NPAD, _HID), jnp.float32),
            jax.ShapeDtypeStruct((_NPAD, 1), jnp.float32),
            jax.ShapeDtypeStruct((_G, _HID), jnp.float32),
            jax.ShapeDtypeStruct((_G, _HID), jnp.float32),
            jax.ShapeDtypeStruct((_G, 1), jnp.float32),
        ),
    )(h, batchc, pw)


def _pool2_head(h, batchc, pw, keep1, ks1, gap1, gmp1, fc1w, fc1b, fc2wp, fc2bp):
    return pl.pallas_call(
        _pool2_body,
        out_shape=jax.ShapeDtypeStruct((_G, _HID), jnp.float32),
        scratch_shapes=[pltpu.VMEM((_G, _HID), jnp.float32)],
    )(h, batchc, pw, keep1, ks1, gap1, gmp1, fc1w, fc1b, fc2wp, fc2bp)


def kernel(x, edge_index, batch, W1l, W1r, b1, W2l, W2r, b2, p1w, p2w,
           fc1W, fc1b, fc2W, fc2b):
    xpad = jnp.pad(x, ((0, _NPAD - _N), (0, 0)))
    w1 = jnp.pad(jnp.ones((_N,), jnp.float32), (0, _NPAD - _N))
    src = jnp.pad(edge_index[0], (0, _EPAD - _E), constant_values=_NPAD - 1)
    dst = jnp.pad(edge_index[1], (0, _EPAD - _E), constant_values=_NPAD - 1)
    batchc = jnp.pad(batch, (0, _NPAD - _N), constant_values=_G)[:, None]
    b1r = b1[None, :]
    b2r = b2[None, :]
    p1r = p1w[None, :]
    p2r = p2w[None, :]
    fc1br = fc1b[None, :]
    fc2wp = jnp.pad(fc2W, ((0, 0), (0, _HID - _CLS)))
    fc2bp = jnp.pad(fc2b, (0, _HID - _CLS))[None, :]

    aggp1, cntp1 = _sc_scatter(xpad, w1, src, dst)
    h1 = _sage_h(aggp1, cntp1, xpad, W1l, W1r, b1r)
    xp1, keep1, gap1, gmp1, ks1 = _pool1(h1, batchc, p1r)

    aggp2, cntp2 = _sc_scatter(xp1, jnp.reshape(keep1, (_NPAD,)), src, dst)
    h2 = _sage_h(aggp2, cntp2, xp1, W2l, W2r, b2r)
    out128 = _pool2_head(h2, batchc, p2r, keep1, ks1, gap1, gmp1,
                         fc1W, fc1br, fc2wp, fc2bp)
    return out128[:, :_CLS]

# --- scband reference (transcript-rebuilt; emitter-appended) ---
"""Pipeline reference for scband-diff-pool-57071525429590 (READ-ONLY COPY).

The authoritative reference and input builder live on the scoring server;
editing this copy changes nothing except your own understanding.
"""

import jax, jax.numpy as jnp
import numpy as np

HIDDEN = 128
NUM_CLASSES = 10
RATIO = 0.8
NUM_GRAPHS = 64
N_NODES = 10000
N_EDGES = 320000
D_FEAT = 128


def setup_inputs(seed: int = 0):
    key = jax.random.key(seed)
    k = jax.random.split(key, 16)
    x = jax.random.normal(k[0], (N_NODES, D_FEAT), dtype=jnp.float32)
    edge_index = jax.random.randint(k[1], (2, N_EDGES), 0, N_NODES, dtype=jnp.int32)
    batch = jnp.sort(jax.random.randint(k[2], (N_NODES,), 0, NUM_GRAPHS, dtype=jnp.int32))
    def lin(kk, fan_in, shape):
        return jax.random.normal(kk, shape, dtype=jnp.float32) * (1.0 / np.sqrt(fan_in))
    W1l = lin(k[3], D_FEAT, (D_FEAT, HIDDEN))
    W1r = lin(k[4], D_FEAT, (D_FEAT, HIDDEN))
    b1 = jnp.zeros((HIDDEN,), jnp.float32)
    W2l = lin(k[5], HIDDEN, (HIDDEN, HIDDEN))
    W2r = lin(k[6], HIDDEN, (HIDDEN, HIDDEN))
    b2 = jnp.zeros((HIDDEN,), jnp.float32)
    p1w = lin(k[7], HIDDEN, (HIDDEN,))
    p2w = lin(k[8], HIDDEN, (HIDDEN,))
    fc1W = lin(k[9], 2 * HIDDEN, (2 * HIDDEN, HIDDEN))
    fc1b = jnp.zeros((HIDDEN,), jnp.float32)
    fc2W = lin(k[10], HIDDEN, (HIDDEN, NUM_CLASSES))
    fc2b = jnp.zeros((NUM_CLASSES,), jnp.float32)
    return {"x": x, "edge_index": edge_index, "batch": batch, "W1l": W1l, "W1r": W1r, "b1": b1, "W2l": W2l, "W2r": W2r, "b2": b2, "p1w": p1w, "p2w": p2w, "fc1W": fc1W, "fc1b": fc1b, "fc2W": fc2W, "fc2b": fc2b}


def _sage(x, src, dst, w, n, Wl, Wr, b):
    msg = x[src] * w[:, None]
    agg = jax.ops.segment_sum(msg, dst, num_segments=n)
    cnt = jax.ops.segment_sum(w, dst, num_segments=n)
    mean = agg / jnp.maximum(cnt, 1.0)[:, None]
    return mean @ Wl + x @ Wr + b


def _topk_pool(x, pw, batch_ids, sizes, ks):
    raw = (x @ pw) / jnp.linalg.norm(pw)
    s = jnp.tanh(raw)
    n = x.shape[0]
    order = jnp.lexsort((-s, batch_ids)).astype(jnp.int32)
    b_sorted = batch_ids[order]
    offs = jnp.concatenate([jnp.zeros((1,), jnp.int32), jnp.cumsum(sizes).astype(jnp.int32)])
    rank = jnp.arange(n, dtype=jnp.int32) - offs[b_sorted]
    ks_ext = jnp.concatenate([ks, jnp.zeros((1,), ks.dtype)])
    keep = rank < ks_ext[b_sorted]
    kcum = jnp.cumsum(keep.astype(jnp.int32))
    K = kcum[-1]
    dest = jnp.where(keep, kcum - 1, K + jnp.cumsum((~keep).astype(jnp.int32)) - 1)
    perm_full = jnp.zeros((n,), jnp.int32).at[dest].set(order)
    valid = jnp.arange(n, dtype=jnp.int32) < K
    x_new = jnp.where(valid[:, None], x[perm_full] * s[perm_full][:, None], 0.0)
    batch_new = jnp.where(valid, batch_ids[perm_full], NUM_GRAPHS).astype(jnp.int32)
    nmask = jnp.zeros((n,), bool).at[order].set(keep)
    new_id = jnp.zeros((n,), jnp.int32).at[order].set(jnp.where(keep, kcum - 1, 0))
    return x_new, batch_new, nmask, new_id


def _gap(x, seg, g):
    ssum = jax.ops.segment_sum(x, seg, num_segments=g + 1)[:g]
    cnt = jax.ops.segment_sum(jnp.ones((x.shape[0],), jnp.float32), seg, num_segments=g + 1)[:g]
    return ssum / jnp.maximum(cnt, 1.0)[:, None]


def _gmp(x, seg, g, counts):
    m = jax.ops.segment_max(x, seg, num_segments=g + 1)[:g]
    return jnp.where(counts[:, None] > 0, m, 0.0)


def reference(x, edge_index, batch, W1l, W1r, b1, W2l, W2r, b2, p1w, p2w, fc1W, fc1b, fc2W, fc2b):
    sizes1 = jnp.bincount(batch, length=NUM_GRAPHS).astype(jnp.int32)
    ks1 = (4 * sizes1 + 4) // 5
    src, dst = edge_index[0], edge_index[1]
    n0 = x.shape[0]
    h1 = jax.nn.relu(_sage(x, src, dst, jnp.ones((src.shape[0],), jnp.float32), n0, W1l, W1r, b1))
    xp1, batch1, nmask, new_id = _topk_pool(h1, p1w, batch, sizes1, ks1)
    x1 = jnp.concatenate([_gap(xp1, batch1, NUM_GRAPHS), _gmp(xp1, batch1, NUM_GRAPHS, ks1)], axis=1)
    valid = (nmask[src] & nmask[dst]).astype(jnp.float32)
    h2 = jax.nn.relu(_sage(xp1, new_id[src], new_id[dst], valid, n0, W2l, W2r, b2))
    ks2 = (4 * ks1 + 4) // 5
    xp2, batch2, _, _ = _topk_pool(h2, p2w, batch1, ks1, ks2)
    x2 = jnp.concatenate([_gap(xp2, batch2, NUM_GRAPHS), _gmp(xp2, batch2, NUM_GRAPHS, ks2)], axis=1)
    out = x1 + x2
    out = jax.nn.relu(out @ fc1W + fc1b)
    out = out @ fc2W + fc2b
    return out

if __name__ == "__main__":
    import jax
    _d = setup_inputs()
    print(jax.jit(kernel)(*tuple(_d.values())))

</pallas_src>

<mosaic_0001>
#map = affine_map<(d0, d1) -> (0, 0)>
#map1 = affine_map<(d0, d1) -> (0)>
#map2 = affine_map<(d0, d1) -> (0, 0, 0)>
module attributes {stable_mosaic.version = 14 : i64} {
  func.func @_sc_scatter_body(%arg0: i32, %arg1: i32, %arg2: memref<10240x128xf32, #tpu.memory_space<hbm>>, %arg3: memref<10240xf32, #tpu.memory_space<hbm>>, %arg4: memref<323584xi32, #tpu.memory_space<hbm>>, %arg5: memref<323584xi32, #tpu.memory_space<hbm>>, %arg6: memref<2x10240x128xf32, #tpu.memory_space<hbm>>, %arg7: memref<32x10240xf32, #tpu.memory_space<hbm>>, %arg8: memref<128xi32, #tpu.memory_space<vmem>>, %arg9: memref<128xi32, #tpu.memory_space<vmem>>, %arg10: memref<128x128xf32, #tpu.memory_space<vmem>>, %arg11: memref<10240xf32, #tpu.memory_space<vmem>>, %arg12: memref<10240xf32, #tpu.memory_space<vmem>>, %arg13: memref<10240x128xf32, #tpu.memory_space<vmem_shared>>, %arg14: memref<!tpu.dma_semaphore, #tpu.memory_space<semaphore_mem>>) attributes {dimension_semantics = [#tpu.dimension_semantics<core_parallel>, #tpu.dimension_semantics<subcore_parallel>], iteration_bounds = array<i64: 2, 16>, scalar_prefetch = 0 : i64, scratch_operands = 7 : i64, tpu.core_type = #tpu.core_type<sc_vector_subcore>, window_params = [{transform_indices = #map}, {transform_indices = #map1}, {transform_indices = #map1}, {transform_indices = #map1}, {transform_indices = #map2}, {transform_indices = #map}]} {
    %mul3A = arith.constant 16 : i32
    %mul3A_0 = arith.muli %arg0, %mul3A : i32
    %add3A = arith.addi %mul3A_0, %arg1 : i32
    "tpu.region"() ({
      %run_scoped3A = tpu.sem_alloc : memref<!tpu.dma_semaphore, #tpu.memory_space<semaphore_mem>>
      tpu.enqueue_dma source(%arg3 : memref<10240xf32, #tpu.memory_space<hbm>>) target(%arg11 : memref<10240xf32, #tpu.memory_space<vmem>>) target_semaphore(%run_scoped3A : memref<!tpu.dma_semaphore, #tpu.memory_space<semaphore_mem>>)
      tpu.wait_dma2 semaphore(%run_scoped3A : memref<!tpu.dma_semaphore, #tpu.memory_space<semaphore_mem>>) src(%arg3 : memref<10240xf32, #tpu.memory_space<hbm>>) dst(%arg11 : memref<10240xf32, #tpu.memory_space<vmem>>)
      tpu.yield
    }) : () -> ()
    %scan3A = arith.constant 0 : i32
    %scan3A_1 = arith.constant 0 : i32
    %scan3A_2 = arith.constant 640 : i32
    %scan3A_3 = arith.addi %scan3A_1, %scan3A_2 : i32
    %scan3A_4 = arith.constant 1 : i32
    %scan3A_5 = scf.for %scan3A_31 = %scan3A_1 to %scan3A_3 step %scan3A_4 iter_args(%scan3A_32 = %scan3A) -> (i32)  : i32 {
      %broadcast_in_dim3A = arith.constant 0.000000e+00 : f32
      %broadcast_in_dim3A_33 = vector.broadcast %broadcast_in_dim3A : f32 to vector<16xf32>
      %mul3A_34 = arith.constant 16 : i32
      %mul3A_35 = arith.muli %scan3A_31, %mul3A_34 : i32
      %swap3A = arith.index_cast %mul3A_35 : i32 to index
      %swap3A_36 = tpu.vector_load %arg12[%swap3A] {strides = array<i32>} : memref<10240xf32, #tpu.memory_space<vmem>>, vector<16xf32>,
      tpu.vector_store %arg12[%swap3A], %broadcast_in_dim3A_33 {strides = array<i32>} : memref<10240xf32, #tpu.memory_space<vmem>>, vector<16xf32>,
      %scan3A_37 = arith.constant 0 : i32
      scf.yield %scan3A_37 : i32
    }
    %scan3A_6 = arith.constant 640 : i32
    %scan3A_7 = arith.constant 0 : i32
    %scan3A_8 = arith.constant 0 : i32
    %scan3A_9 = arith.constant 128 : i32
    %scan3A_10 = arith.addi %scan3A_8, %scan3A_9 : i32
    %scan3A_11 = arith.constant 1 : i32
    %scan3A_12 = scf.for %scan3A_31 = %scan3A_8 to %scan3A_10 step %scan3A_11 iter_args(%scan3A_32 = %scan3A_7) -> (i32)  : i32 {
      %scan3A_33 = arith.constant 0 : i32
      %scan3A_34 = arith.constant 0 : i32
      %scan3A_35 = arith.constant 8 : i32
      %scan3A_36 = arith.addi %scan3A_34, %scan3A_35 : i32
      %scan3A_37 = arith.constant 1 : i32
      %scan3A_38 = scf.for %scan3A_40 = %scan3A_34 to %scan3A_36 step %scan3A_37 iter_args(%scan3A_41 = %scan3A_33) -> (i32)  : i32 {
        %broadcast_in_dim3A = arith.constant 0.000000e+00 : f32
        %broadcast_in_dim3A_42 = vector.broadcast %broadcast_in_dim3A : f32 to vector<16xf32>
        %mul3A_43 = arith.constant 16 : i32
        %mul3A_44 = arith.muli %scan3A_40, %mul3A_43 : i32
        %swap3A = arith.index_cast %scan3A_31 : i32 to index
        %swap3A_45 = arith.index_cast %mul3A_44 : i32 to index
        %swap3A_46 = tpu.vector_load %arg10[%swap3A, %swap3A_45] {strides = array<i32>} : memref<128x128xf32, #tpu.memory_space<vmem>>, vector<16xf32>,
        tpu.vector_store %arg10[%swap3A, %swap3A_45], %broadcast_in_dim3A_42 {strides = array<i32>} : memref<128x128xf32, #tpu.memory_space<vmem>>, vector<16xf32>,
        %scan3A_47 = arith.constant 0 : i32
        scf.yield %scan3A_47 : i32
      }
      %scan3A_39 = arith.constant 8 : i32
      scf.yield %scan3A_38 : i32
    }
    %scan3A_13 = arith.constant 128 : i32
    %mul3A_14 = arith.constant 640 : i32
    %mul3A_15 = arith.muli %arg1, %mul3A_14 : i32
    %scan3A_16 = arith.constant 0 : i32
    %scan3A_17 = arith.constant 0 : i32
    %scan3A_18 = arith.constant 5 : i32
    %scan3A_19 = arith.addi %scan3A_17, %scan3A_18 : i32
    %scan3A_20 = arith.constant 1 : i32
    %scan3A_21 = scf.for %scan3A_31 = %scan3A_17 to %scan3A_19 step %scan3A_20 iter_args(%scan3A_32 = %scan3A_16) -> (i32)  : i32 {
      %mul3A_33 = arith.constant 128 : i32
      %mul3A_34 = arith.muli %scan3A_31, %mul3A_33 : i32
      %add3A_35 = arith.addi %mul3A_15, %mul3A_34 : i32
      "tpu.region"() ({
        %run_scoped3A = tpu.sem_alloc : memref<!tpu.dma_semaphore, #tpu.memory_space<semaphore_mem>>
        %dma_start3A = arith.constant 0 : i32
        %dma_start3A_37 = tpu.memref_slice %arg13[%add3A_35, %dma_start3A] : memref<10240x128xf32, #tpu.memory_space<vmem_shared>> -> memref<128x128xf32, #tpu.memory_space<vmem_shared>>
        %dma_start3A_38 = arith.constant 0 : i32
        %dma_start3A_39 = tpu.memref_slice %arg13[%add3A_35, %dma_start3A_38] : memref<10240x128xf32, #tpu.memory_space<vmem_shared>> -> memref<128x128xf32, #tpu.memory_space<vmem_shared>>
        tpu.enqueue_dma source(%arg10 : memref<128x128xf32, #tpu.memory_space<vmem>>) target(%dma_start3A_39 : memref<128x128xf32, #tpu.memory_space<vmem_shared>>) target_semaphore(%run_scoped3A : memref<!tpu.dma_semaphore, #tpu.memory_space<semaphore_mem>>)
        %dma_wait3A = arith.constant 0 : i32
        %dma_wait3A_40 = tpu.memref_slice %arg13[%add3A_35, %dma_wait3A] : memref<10240x128xf32, #tpu.memory_space<vmem_shared>> -> memref<128x128xf32, #tpu.memory_space<vmem_shared>>
        %dma_wait3A_41 = arith.constant 0 : i32
        %dma_wait3A_42 = tpu.memref_slice %arg13[%add3A_35, %dma_wait3A_41] : memref<10240x128xf32, #tpu.memory_space<vmem_shared>> -> memref<128x128xf32, #tpu.memory_space<vmem_shared>>
        tpu.wait_dma2 semaphore(%run_scoped3A : memref<!tpu.dma_semaphore, #tpu.memory_space<semaphore_mem>>) src(%arg10 : memref<128x128xf32, #tpu.memory_space<vmem>>) dst(%dma_wait3A_42 : memref<128x128xf32, #tpu.memory_space<vmem_shared>>)
        tpu.yield
      }) : () -> ()
      %scan3A_36 = arith.constant 0 : i32
      scf.yield %scan3A_36 : i32
    }
    %scan3A_22 = arith.constant 5 : i32
    %barrier3A = arith.constant 0 : index
    tpu.barrier barrier_id(%barrier3A)
    %scan3A_23 = arith.constant 0 : i32
    %scan3A_24 = arith.constant 0 : i32
    %scan3A_25 = arith.constant 79 : i32
    %scan3A_26 = arith.addi %scan3A_24, %scan3A_25 : i32
    %scan3A_27 = arith.constant 1 : i32
    %scan3A_28 = scf.for %scan3A_31 = %scan3A_24 to %scan3A_26 step %scan3A_27 iter_args(%scan3A_32 = %scan3A_23) -> (i32)  : i32 {
      %mul3A_33 = arith.constant 10112 : i32
      %mul3A_34 = arith.muli %add3A, %mul3A_33 : i32
      %mul3A_35 = arith.constant 128 : i32
      %mul3A_36 = arith.muli %scan3A_31, %mul3A_35 : i32
      %add3A_37 = arith.addi %mul3A_34, %mul3A_36 : i32
      "tpu.region"() ({
        %run_scoped3A = tpu.sem_alloc : memref<!tpu.dma_semaphore, #tpu.memory_space<semaphore_mem>>
        %dma_start3A_81 = tpu.memref_slice %arg4[%add3A_37] : memref<323584xi32, #tpu.memory_space<hbm>> -> memref<128xi32, #tpu.memory_space<hbm>>
        %dma_start3A_82 = tpu.memref_slice %arg4[%add3A_37] : memref<323584xi32, #tpu.memory_space<hbm>> -> memref<128xi32, #tpu.memory_space<hbm>>
        tpu.enqueue_dma source(%dma_start3A_82 : memref<128xi32, #tpu.memory_space<hbm>>) target(%arg8 : memref<128xi32, #tpu.memory_space<vmem>>) target_semaphore(%run_scoped3A : memref<!tpu.dma_semaphore, #tpu.memory_space<semaphore_mem>>)
        %dma_wait3A_83 = tpu.memref_slice %arg4[%add3A_37] : memref<323584xi32, #tpu.memory_space<hbm>> -> memref<128xi32, #tpu.memory_space<hbm>>
        %dma_wait3A_84 = tpu.memref_slice %arg4[%add3A_37] : memref<323584xi32, #tpu.memory_space<hbm>> -> memref<128xi32, #tpu.memory_space<hbm>>
        tpu.wait_dma2 semaphore(%run_scoped3A : memref<!tpu.dma_semaphore, #tpu.memory_space<semaphore_mem>>) src(%dma_wait3A_84 : memref<128xi32, #tpu.memory_space<hbm>>) dst(%arg8 : memref<128xi32, #tpu.memory_space<vmem>>)
        tpu.yield
      }) : () -> ()
      "tpu.region"() ({
        %run_scoped3A = tpu.sem_alloc : memref<!tpu.dma_semaphore, #tpu.memory_space<semaphore_mem>>
        %dma_start3A_81 = tpu.memref_slice %arg5[%add3A_37] : memref<323584xi32, #tpu.memory_space<hbm>> -> memref<128xi32, #tpu.memory_space<hbm>>
        %dma_start3A_82 = tpu.memref_slice %arg5[%add3A_37] : memref<323584xi32, #tpu.memory_space<hbm>> -> memref<128xi32, #tpu.memory_space<hbm>>
        tpu.enqueue_dma source(%dma_start3A_82 : memref<128xi32, #tpu.memory_space<hbm>>) target(%arg9 : memref<128xi32, #tpu.memory_space<vmem>>) target_semaphore(%run_scoped3A : memref<!tpu.dma_semaphore, #tpu.memory_space<semaphore_mem>>)
        %dma_wait3A_83 = tpu.memref_slice %arg5[%add3A_37] : memref<323584xi32, #tpu.memory_space<hbm>> -> memref<128xi32, #tpu.memory_space<hbm>>
        %dma_wait3A_84 = tpu.memref_slice %arg5[%add3A_37] : memref<323584xi32, #tpu.memory_space<hbm>> -> memref<128xi32, #tpu.memory_space<hbm>>
        tpu.wait_dma2 semaphore(%run_scoped3A : memref<!tpu.dma_semaphore, #tpu.memory_space<semaphore_mem>>) src(%dma_wait3A_84 : memref<128xi32, #tpu.memory_space<hbm>>) dst(%arg9 : memref<128xi32, #tpu.memory_space<vmem>>)
        tpu.yield
      }) : () -> ()
      %dma_start3A = arith.constant 0 : i32
      %dma_start3A_38 = arith.constant 0 : i32
      %dma_start3A_39 = tpu.memref_slice %arg2[%dma_start3A, %dma_start3A_38] : memref<10240x128xf32, #tpu.memory_space<hbm>> -> memref<10240x128xf32, #tpu.memory_space<hbm>>
      tpu.enqueue_indirect_dma source(%dma_start3A_39 : memref<10240x128xf32, #tpu.memory_space<hbm>>) target(%arg10 : memref<128x128xf32, #tpu.memory_space<vmem>>) offsets(%arg8 : memref<128xi32, #tpu.memory_space<vmem>>) semaphore(%arg14 : memref<!tpu.dma_semaphore, #tpu.memory_space<semaphore_mem>>)
      %dma_wait3A = arith.constant 0 : i32
      %dma_wait3A_40 = arith.constant 0 : i32
      %dma_wait3A_41 = tpu.memref_slice %arg2[%dma_wait3A, %dma_wait3A_40] : memref<10240x128xf32, #tpu.memory_space<hbm>> -> memref<10240x128xf32, #tpu.memory_space<hbm>>
      tpu.wait_indirect_dma semaphore(%arg14 : memref<!tpu.dma_semaphore, #tpu.memory_space<semaphore_mem>>) src(%dma_wait3A_41 : memref<10240x128xf32, #tpu.memory_space<hbm>>) dst(%arg10 : memref<128x128xf32, #tpu.memory_space<vmem>>)
      "tpu.region"() ({
        %run_scoped3A = tpu.sem_alloc : memref<!tpu.dma_semaphore, #tpu.memory_space<semaphore_mem>>
        %dma_start3A_81 = arith.constant 0 : i32
        %dma_start3A_82 = arith.constant 0 : i32
        %dma_start3A_83 = tpu.memref_slice %arg13[%dma_start3A_81, %dma_start3A_82] : memref<10240x128xf32, #tpu.memory_space<vmem_shared>> -> memref<10240x128xf32, #tpu.memory_space<vmem_shared>>
        tpu.enqueue_indirect_dma source(%arg10 : memref<128x128xf32, #tpu.memory_space<vmem>>) target(%dma_start3A_83 : memref<10240x128xf32, #tpu.memory_space<vmem_shared>>) offsets(%arg9 : memref<128xi32, #tpu.memory_space<vmem>>) semaphore(%run_scoped3A : memref<!tpu.dma_semaphore, #tpu.memory_space<semaphore_mem>>) {add = true}
        %dma_wait3A_84 = arith.constant 0 : i32
        %dma_wait3A_85 = arith.constant 0 : i32
        %dma_wait3A_86 = tpu.memref_slice %arg13[%dma_wait3A_84, %dma_wait3A_85] : memref<10240x128xf32, #tpu.memory_space<vmem_shared>> -> memref<10240x128xf32, #tpu.memory_space<vmem_shared>>
        tpu.wait_indirect_dma semaphore(%run_scoped3A : memref<!tpu.dma_semaphore, #tpu.memory_space<semaphore_mem>>) src(%arg10 : memref<128x128xf32, #tpu.memory_space<vmem>>) dst(%dma_wait3A_86 : memref<10240x128xf32, #tpu.memory_space<vmem_shared>>)
        tpu.yield
      }) : () -> ()
      %get3A = arith.constant 0 : index
      %get3A_42 = tpu.vector_load %arg8[%get3A] {strides = array<i32>} : memref<128xi32, #tpu.memory_space<vmem>>, vector<16xi32>,
      %get3A_43 = arith.constant 0 : index
      %get3A_44 = tpu.vector_load %arg9[%get3A_43] {strides = array<i32>} : memref<128xi32, #tpu.memory_space<vmem>>, vector<16xi32>,
      %gather3A = tpu.vector_load_idx %arg11[%get3A_42] : memref<10240xf32, #tpu.memory_space<vmem>>[vector<16xi32>], vector<16xf32>,
      tpu.vector_store_idx %arg12[%get3A_44], %gather3A {add = true} : memref<10240xf32, #tpu.memory_space<vmem>>[vector<16xi32>], vector<16xf32>,
      %get3A_45 = arith.constant 16 : index
      %get3A_46 = tpu.vector_load %arg8[%get3A_45] {strides = array<i32>} : memref<128xi32, #tpu.memory_space<vmem>>, vector<16xi32>,
      %get3A_47 = arith.constant 16 : index
      %get3A_48 = tpu.vector_load %arg9[%get3A_47] {strides = array<i32>} : memref<128xi32, #tpu.memory_space<vmem>>, vector<16xi32>,
      %gather3A_49 = tpu.vector_load_idx %arg11[%get3A_46] : memref<10240xf32, #tpu.memory_space<vmem>>[vector<16xi32>], vector<16xf32>,
      tpu.vector_store_idx %arg12[%get3A_48], %gather3A_49 {add = true} : memref<10240xf32, #tpu.memory_space<vmem>>[vector<16xi32>], vector<16xf32>,
      %get3A_50 = arith.constant 32 : index
      %get3A_51 = tpu.vector_load %arg8[%get3A_50] {strides = array<i32>} : memref<128xi32, #tpu.memory_space<vmem>>, vector<16xi32>,
      %get3A_52 = arith.constant 32 : index
      %get3A_53 = tpu.vector_load %arg9[%get3A_52] {strides = array<i32>} : memref<128xi32, #tpu.memory_space<vmem>>, vector<16xi32>,
      %gather3A_54 = tpu.vector_load_idx %arg11[%get3A_51] : memref<10240xf32, #tpu.memory_space<vmem>>[vector<16xi32>], vector<16xf32>,
      tpu.vector_store_idx %arg12[%get3A_53], %gather3A_54 {add = true} : memref<10240xf32, #tpu.memory_space<vmem>>[vector<16xi32>], vector<16xf32>,
      %get3A_55 = arith.constant 48 : index
      %get3A_56 = tpu.vector_load %arg8[%get3A_55] {strides = array<i32>} : memref<128xi32, #tpu.memory_space<vmem>>, vector<16xi32>,
      %get3A_57 = arith.constant 48 : index
      %get3A_58 = tpu.vector_load %arg9[%get3A_57] {strides = array<i32>} : memref<128xi32, #tpu.memory_space<vmem>>, vector<16xi32>,
      %gather3A_59 = tpu.vector_load_idx %arg11[%get3A_56] : memref<10240xf32, #tpu.memory_space<vmem>>[vector<16xi32>], vector<16xf32>,
      tpu.vector_store_idx %arg12[%get3A_58], %gather3A_59 {add = true} : memref<10240xf32, #tpu.memory_space<vmem>>[vector<16xi32>], vector<16xf32>,
      %get3A_60 = arith.constant 64 : index
      %get3A_61 = tpu.vector_load %arg8[%get3A_60] {strides = array<i32>} : memref<128xi32, #tpu.memory_space<vmem>>, vector<16xi32>,
      %get3A_62 = arith.constant 64 : index
      %get3A_63 = tpu.vector_load %arg9[%get3A_62] {strides = array<i32>} : memref<128xi32, #tpu.memory_space<vmem>>, vector<16xi32>,
      %gather3A_64 = tpu.vector_load_idx %arg11[%get3A_61] : memref<10240xf32, #tpu.memory_space<vmem>>[vector<16xi32>], vector<16xf32>,
      tpu.vector_store_idx %arg12[%get3A_63], %gather3A_64 {add = true} : memref<10240xf32, #tpu.memory_space<vmem>>[vector<16xi32>], vector<16xf32>,
      %get3A_65 = arith.constant 80 : index
      %get3A_66 = tpu.vector_load %arg8[%get3A_65] {strides = array<i32>} : memref<128xi32, #tpu.memory_space<vmem>>, vector<16xi32>,
      %get3A_67 = arith.constant 80 : index
      %get3A_68 = tpu.vector_load %arg9[%get3A_67] {strides = array<i32>} : memref<128xi32, #tpu.memory_space<vmem>>, vector<16xi32>,
      %gather3A_69 = tpu.vector_load_idx %arg11[%get3A_66] : memref<10240xf32, #tpu.memory_space<vmem>>[vector<16xi32>], vector<16xf32>,
      tpu.vector_store_idx %arg12[%get3A_68], %gather3A_69 {add = true} : memref<10240xf32, #tpu.memory_space<vmem>>[vector<16xi32>], vector<16xf32>,
      %get3A_70 = arith.constant 96 : index
      %get3A_71 = tpu.vector_load %arg8[%get3A_70] {strides = array<i32>} : memref<128xi32, #tpu.memory_space<vmem>>, vector<16xi32>,
      %get3A_72 = arith.constant 96 : index
      %get3A_73 = tpu.vector_load %arg9[%get3A_72] {strides = array<i32>} : memref<128xi32, #tpu.memory_space<vmem>>, vector<16xi32>,
      %gather3A_74 = tpu.vector_load_idx %arg11[%get3A_71] : memref<10240xf32, #tpu.memory_space<vmem>>[vector<16xi32>], vector<16xf32>,
      tpu.vector_store_idx %arg12[%get3A_73], %gather3A_74 {add = true} : memref<10240xf32, #tpu.memory_space<vmem>>[vector<16xi32>], vector<16xf32>,
      %get3A_75 = arith.constant 112 : index
      %get3A_76 = tpu.vector_load %arg8[%get3A_75] {strides = array<i32>} : memref<128xi32, #tpu.memory_space<vmem>>, vector<16xi32>,
      %get3A_77 = arith.constant 112 : index
      %get3A_78 = tpu.vector_load %arg9[%get3A_77] {strides = array<i32>} : memref<128xi32, #tpu.memory_space<vmem>>, vector<16xi32>,
      %gather3A_79 = tpu.vector_load_idx %arg11[%get3A_76] : memref<10240xf32, #tpu.memory_space<vmem>>[vector<16xi32>], vector<16xf32>,
      tpu.vector_store_idx %arg12[%get3A_78], %gather3A_79 {add = true} : memref<10240xf32, #tpu.memory_space<vmem>>[vector<16xi32>], vector<16xf32>,
      %scan3A_80 = arith.constant 0 : i32
      scf.yield %scan3A_80 : i32
    }
    %scan3A_29 = arith.constant 79 : i32
    %barrier3A_30 = arith.constant 0 : index
    tpu.barrier barrier_id(%barrier3A_30)
    "tpu.region"() ({
      %run_scoped3A = tpu.sem_alloc : memref<!tpu.dma_semaphore, #tpu.memory_space<semaphore_mem>>
      %dma_start3A = arith.constant 0 : i32
      %dma_start3A_31 = tpu.memref_slice %arg6[%arg0, %mul3A_15, %dma_start3A] : memref<2x10240x128xf32, #tpu.memory_space<hbm>> -> memref<1x640x128xf32, #tpu.memory_space<hbm>>
      %dma_start3A_32 = tpu.memref_squeeze %dma_start3A_31 : memref<1x640x128xf32, #tpu.memory_space<hbm>> -> memref<640x128xf32, #tpu.memory_space<hbm>>
      %dma_start3A_33 = arith.constant 0 : i32
      %dma_start3A_34 = tpu.memref_slice %arg13[%mul3A_15, %dma_start3A_33] : memref<10240x128xf32, #tpu.memory_space<vmem_shared>> -> memref<640x128xf32, #tpu.memory_space<vmem_shared>>
      tpu.enqueue_dma source(%dma_start3A_34 : memref<640x128xf32, #tpu.memory_space<vmem_shared>>) target(%dma_start3A_32 : memref<640x128xf32, #tpu.memory_space<hbm>>) target_semaphore(%run_scoped3A : memref<!tpu.dma_semaphore, #tpu.memory_space<semaphore_mem>>)
      %dma_wait3A = arith.constant 0 : i32
      %dma_wait3A_35 = tpu.memref_slice %arg6[%arg0, %mul3A_15, %dma_wait3A] : memref<2x10240x128xf32, #tpu.memory_space<hbm>> -> memref<1x640x128xf32, #tpu.memory_space<hbm>>
      %dma_wait3A_36 = tpu.memref_squeeze %dma_wait3A_35 : memref<1x640x128xf32, #tpu.memory_space<hbm>> -> memref<640x128xf32, #tpu.memory_space<hbm>>
      %dma_wait3A_37 = arith.constant 0 : i32
      %dma_wait3A_38 = tpu.memref_slice %arg13[%mul3A_15, %dma_wait3A_37] : memref<10240x128xf32, #tpu.memory_space<vmem_shared>> -> memref<640x128xf32, #tpu.memory_space<vmem_shared>>
      tpu.wait_dma2 semaphore(%run_scoped3A : memref<!tpu.dma_semaphore, #tpu.memory_space<semaphore_mem>>) src(%dma_wait3A_38 : memref<640x128xf32, #tpu.memory_space<vmem_shared>>) dst(%dma_wait3A_36 : memref<640x128xf32, #tpu.memory_space<hbm>>)
      tpu.yield
    }) : () -> ()
    "tpu.region"() ({
      %run_scoped3A = tpu.sem_alloc : memref<!tpu.dma_semaphore, #tpu.memory_space<semaphore_mem>>
      %dma_start3A = arith.constant 0 : i32
      %dma_start3A_31 = tpu.memref_slice %arg7[%add3A, %dma_start3A] : memref<32x10240xf32, #tpu.memory_space<hbm>> -> memref<1x10240xf32, #tpu.memory_space<hbm>>
      %dma_start3A_32 = tpu.memref_squeeze %dma_start3A_31 : memref<1x10240xf32, #tpu.memory_space<hbm>> -> memref<10240xf32, #tpu.memory_space<hbm>>
      %dma_start3A_33 = arith.constant 0 : i32
      %dma_start3A_34 = tpu.memref_slice %arg7[%add3A, %dma_start3A_33] : memref<32x10240xf32, #tpu.memory_space<hbm>> -> memref<1x10240xf32, #tpu.memory_space<hbm>>
      %dma_start3A_35 = tpu.memref_squeeze %dma_start3A_34 : memref<1x10240xf32, #tpu.memory_space<hbm>> -> memref<10240xf32, #tpu.memory_space<hbm>>
      tpu.enqueue_dma source(%arg12 : memref<10240xf32, #tpu.memory_space<vmem>>) target(%dma_start3A_35 : memref<10240xf32, #tpu.memory_space<hbm>>) target_semaphore(%run_scoped3A : memref<!tpu.dma_semaphore, #tpu.memory_space<semaphore_mem>>)
      %dma_wait3A = arith.constant 0 : i32
      %dma_wait3A_36 = tpu.memref_slice %arg7[%add3A, %dma_wait3A] : memref<32x10240xf32, #tpu.memory_space<hbm>> -> memref<1x10240xf32, #tpu.memory_space<hbm>>
      %dma_wait3A_37 = tpu.memref_squeeze %dma_wait3A_36 : memref<1x10240xf32, #tpu.memory_space<hbm>> -> memref<10240xf32, #tpu.memory_space<hbm>>
      %dma_wait3A_38 = arith.constant 0 : i32
      %dma_wait3A_39 = tpu.memref_slice %arg7[%add3A, %dma_wait3A_38] : memref<32x10240xf32, #tpu.memory_space<hbm>> -> memref<1x10240xf32, #tpu.memory_space<hbm>>
      %dma_wait3A_40 = tpu.memref_squeeze %dma_wait3A_39 : memref<1x10240xf32, #tpu.memory_space<hbm>> -> memref<10240xf32, #tpu.memory_space<hbm>>
      tpu.wait_dma2 semaphore(%run_scoped3A : memref<!tpu.dma_semaphore, #tpu.memory_space<semaphore_mem>>) src(%arg12 : memref<10240xf32, #tpu.memory_space<vmem>>) dst(%dma_wait3A_40 : memref<10240xf32, #tpu.memory_space<hbm>>)
      tpu.yield
    }) : () -> ()
    return
  }
}

#map = affine_map<(d0, d1) -> (0, 0)>
#map1 = affine_map<(d0, d1) -> (0)>
#map2 = affine_map<(d0, d1) -> (0, 0, 0)>
module attributes {stable_mosaic.version = 14 : i64} {
  func.func @_sc_scatter_body(%arg0: i32, %arg1: i32, %arg2: memref<10240x128xf32, #tpu.memory_space<hbm>>, %arg3: memref<10240xf32, #tpu.memory_space<hbm>>, %arg4: memref<323584xi32, #tpu.memory_space<hbm>>, %arg5: memref<323584xi32, #tpu.memory_space<hbm>>, %arg6: memref<2x10240x128xf32, #tpu.memory_space<hbm>>, %arg7: memref<32x10240xf32, #tpu.memory_space<hbm>>, %arg8: memref<128xi32, #tpu.memory_space<vmem>>, %arg9: memref<128xi32, #tpu.memory_space<vmem>>, %arg10: memref<128x128xf32, #tpu.memory_space<vmem>>, %arg11: memref<10240xf32, #tpu.memory_space<vmem>>, %arg12: memref<10240xf32, #tpu.memory_space<vmem>>, %arg13: memref<10240x128xf32, #tpu.memory_space<vmem_shared>>, %arg14: memref<!tpu.dma_semaphore, #tpu.memory_space<semaphore_mem>>) attributes {dimension_semantics = [#tpu.dimension_semantics<core_parallel>, #tpu.dimension_semantics<subcore_parallel>], iteration_bounds = array<i64: 2, 16>, scalar_prefetch = 0 : i64, scratch_operands = 7 : i64, tpu.core_type = #tpu.core_type<sc_vector_subcore>, window_params = [{transform_indices = #map}, {transform_indices = #map1}, {transform_indices = #map1}, {transform_indices = #map1}, {transform_indices = #map2}, {transform_indices = #map}]} {
    %mul3A = arith.constant 16 : i32
    %mul3A_0 = arith.muli %arg0, %mul3A : i32
    %add3A = arith.addi %mul3A_0, %arg1 : i32
    "tpu.region"() ({
      %run_scoped3A = tpu.sem_alloc : memref<!tpu.dma_semaphore, #tpu.memory_space<semaphore_mem>>
      tpu.enqueue_dma source(%arg3 : memref<10240xf32, #tpu.memory_space<hbm>>) target(%arg11 : memref<10240xf32, #tpu.memory_space<vmem>>) target_semaphore(%run_scoped3A : memref<!tpu.dma_semaphore, #tpu.memory_space<semaphore_mem>>)
      tpu.wait_dma2 semaphore(%run_scoped3A : memref<!tpu.dma_semaphore, #tpu.memory_space<semaphore_mem>>) src(%arg3 : memref<10240xf32, #tpu.memory_space<hbm>>) dst(%arg11 : memref<10240xf32, #tpu.memory_space<vmem>>)
      tpu.yield
    }) : () -> ()
    %scan3A = arith.constant 0 : i32
    %scan3A_1 = arith.constant 0 : i32
    %scan3A_2 = arith.constant 640 : i32
    %scan3A_3 = arith.addi %scan3A_1, %scan3A_2 : i32
    %scan3A_4 = arith.constant 1 : i32
    %scan3A_5 = scf.for %scan3A_31 = %scan3A_1 to %scan3A_3 step %scan3A_4 iter_args(%scan3A_32 = %scan3A) -> (i32)  : i32 {
      %broadcast_in_dim3A = arith.constant 0.000000e+00 : f32
      %broadcast_in_dim3A_33 = vector.broadcast %broadcast_in_dim3A : f32 to vector<16xf32>
      %mul3A_34 = arith.constant 16 : i32
      %mul3A_35 = arith.muli %scan3A_31, %mul3A_34 : i32
      %swap3A = arith.index_cast %mul3A_35 : i32 to index
      %swap3A_36 = tpu.vector_load %arg12[%swap3A] {strides = array<i32>} : memref<10240xf32, #tpu.memory_space<vmem>>, vector<16xf32>,
      tpu.vector_store %arg12[%swap3A], %broadcast_in_dim3A_33 {strides = array<i32>} : memref<10240xf32, #tpu.memory_space<vmem>>, vector<16xf32>,
      %scan3A_37 = arith.constant 0 : i32
      scf.yield %scan3A_37 : i32
    }
    %scan3A_6 = arith.constant 640 : i32
    %scan3A_7 = arith.constant 0 : i32
    %scan3A_8 = arith.constant 0 : i32
    %scan3A_9 = arith.constant 128 : i32
    %scan3A_10 = arith.addi %scan3A_8, %scan3A_9 : i32
    %scan3A_11 = arith.constant 1 : i32
    %scan3A_12 = scf.for %scan3A_31 = %scan3A_8 to %scan3A_10 step %scan3A_11 iter_args(%scan3A_32 = %scan3A_7) -> (i32)  : i32 {
      %scan3A_33 = arith.constant 0 : i32
      %scan3A_34 = arith.constant 0 : i32
      %scan3A_35 = arith.constant 8 : i32
      %scan3A_36 = arith.addi %scan3A_34, %scan3A_35 : i32
      %scan3A_37 = arith.constant 1 : i32
      %scan3A_38 = scf.for %scan3A_40 = %scan3A_34 to %scan3A_36 step %scan3A_37 iter_args(%scan3A_41 = %scan3A_33) -> (i32)  : i32 {
        %broadcast_in_dim3A = arith.constant 0.000000e+00 : f32
        %broadcast_in_dim3A_42 = vector.broadcast %broadcast_in_dim3A : f32 to vector<16xf32>
        %mul3A_43 = arith.constant 16 : i32
        %mul3A_44 = arith.muli %scan3A_40, %mul3A_43 : i32
        %swap3A = arith.index_cast %scan3A_31 : i32 to index
        %swap3A_45 = arith.index_cast %mul3A_44 : i32 to index
        %swap3A_46 = tpu.vector_load %arg10[%swap3A, %swap3A_45] {strides = array<i32>} : memref<128x128xf32, #tpu.memory_space<vmem>>, vector<16xf32>,
        tpu.vector_store %arg10[%swap3A, %swap3A_45], %broadcast_in_dim3A_42 {strides = array<i32>} : memref<128x128xf32, #tpu.memory_space<vmem>>, vector<16xf32>,
        %scan3A_47 = arith.constant 0 : i32
        scf.yield %scan3A_47 : i32
      }
      %scan3A_39 = arith.constant 8 : i32
      scf.yield %scan3A_38 : i32
    }
    %scan3A_13 = arith.constant 128 : i32
    %mul3A_14 = arith.constant 640 : i32
    %mul3A_15 = arith.muli %arg1, %mul3A_14 : i32
    %scan3A_16 = arith.constant 0 : i32
    %scan3A_17 = arith.constant 0 : i32
    %scan3A_18 = arith.constant 5 : i32
    %scan3A_19 = arith.addi %scan3A_17, %scan3A_18 : i32
    %scan3A_20 = arith.constant 1 : i32
    %scan3A_21 = scf.for %scan3A_31 = %scan3A_17 to %scan3A_19 step %scan3A_20 iter_args(%scan3A_32 = %scan3A_16) -> (i32)  : i32 {
      %mul3A_33 = arith.constant 128 : i32
      %mul3A_34 = arith.muli %scan3A_31, %mul3A_33 : i32
      %add3A_35 = arith.addi %mul3A_15, %mul3A_34 : i32
      "tpu.region"() ({
        %run_scoped3A = tpu.sem_alloc : memref<!tpu.dma_semaphore, #tpu.memory_space<semaphore_mem>>
        %dma_start3A = arith.constant 0 : i32
        %dma_start3A_37 = tpu.memref_slice %arg13[%add3A_35, %dma_start3A] : memref<10240x128xf32, #tpu.memory_space<vmem_shared>> -> memref<128x128xf32, #tpu.memory_space<vmem_shared>>
        %dma_start3A_38 = arith.constant 0 : i32
        %dma_start3A_39 = tpu.memref_slice %arg13[%add3A_35, %dma_start3A_38] : memref<10240x128xf32, #tpu.memory_space<vmem_shared>> -> memref<128x128xf32, #tpu.memory_space<vmem_shared>>
        tpu.enqueue_dma source(%arg10 : memref<128x128xf32, #tpu.memory_space<vmem>>) target(%dma_start3A_39 : memref<128x128xf32, #tpu.memory_space<vmem_shared>>) target_semaphore(%run_scoped3A : memref<!tpu.dma_semaphore, #tpu.memory_space<semaphore_mem>>)
        %dma_wait3A = arith.constant 0 : i32
        %dma_wait3A_40 = tpu.memref_slice %arg13[%add3A_35, %dma_wait3A] : memref<10240x128xf32, #tpu.memory_space<vmem_shared>> -> memref<128x128xf32, #tpu.memory_space<vmem_shared>>
        %dma_wait3A_41 = arith.constant 0 : i32
        %dma_wait3A_42 = tpu.memref_slice %arg13[%add3A_35, %dma_wait3A_41] : memref<10240x128xf32, #tpu.memory_space<vmem_shared>> -> memref<128x128xf32, #tpu.memory_space<vmem_shared>>
        tpu.wait_dma2 semaphore(%run_scoped3A : memref<!tpu.dma_semaphore, #tpu.memory_space<semaphore_mem>>) src(%arg10 : memref<128x128xf32, #tpu.memory_space<vmem>>) dst(%dma_wait3A_42 : memref<128x128xf32, #tpu.memory_space<vmem_shared>>)
        tpu.yield
      }) : () -> ()
      %scan3A_36 = arith.constant 0 : i32
      scf.yield %scan3A_36 : i32
    }
    %scan3A_22 = arith.constant 5 : i32
    %barrier3A = arith.constant 0 : index
    tpu.barrier barrier_id(%barrier3A)
    %scan3A_23 = arith.constant 0 : i32
    %scan3A_24 = arith.constant 0 : i32
    %scan3A_25 = arith.constant 79 : i32
    %scan3A_26 = arith.addi %scan3A_24, %scan3A_25 : i32
    %scan3A_27 = arith.constant 1 : i32
    %scan3A_28 = scf.for %scan3A_31 = %scan3A_24 to %scan3A_26 step %scan3A_27 iter_args(%scan3A_32 = %scan3A_23) -> (i32)  : i32 {
      %mul3A_33 = arith.constant 10112 : i32
      %mul3A_34 = arith.muli %add3A, %mul3A_33 : i32
      %mul3A_35 = arith.constant 128 : i32
      %mul3A_36 = arith.muli %scan3A_31, %mul3A_35 : i32
      %add3A_37 = arith.addi %mul3A_34, %mul3A_36 : i32
      "tpu.region"() ({
        %run_scoped3A = tpu.sem_alloc : memref<!tpu.dma_semaphore, #tpu.memory_space<semaphore_mem>>
        %dma_start3A_81 = tpu.memref_slice %arg4[%add3A_37] : memref<323584xi32, #tpu.memory_space<hbm>> -> memref<128xi32, #tpu.memory_space<hbm>>
        %dma_start3A_82 = tpu.memref_slice %arg4[%add3A_37] : memref<323584xi32, #tpu.memory_space<hbm>> -> memref<128xi32, #tpu.memory_space<hbm>>
        tpu.enqueue_dma source(%dma_start3A_82 : memref<128xi32, #tpu.memory_space<hbm>>) target(%arg8 : memref<128xi32, #tpu.memory_space<vmem>>) target_semaphore(%run_scoped3A : memref<!tpu.dma_semaphore, #tpu.memory_space<semaphore_mem>>)
        %dma_wait3A_83 = tpu.memref_slice %arg4[%add3A_37] : memref<323584xi32, #tpu.memory_space<hbm>> -> memref<128xi32, #tpu.memory_space<hbm>>
        %dma_wait3A_84 = tpu.memref_slice %arg4[%add3A_37] : memref<323584xi32, #tpu.memory_space<hbm>> -> memref<128xi32, #tpu.memory_space<hbm>>
        tpu.wait_dma2 semaphore(%run_scoped3A : memref<!tpu.dma_semaphore, #tpu.memory_space<semaphore_mem>>) src(%dma_wait3A_84 : memref<128xi32, #tpu.memory_space<hbm>>) dst(%arg8 : memref<128xi32, #tpu.memory_space<vmem>>)
        tpu.yield
      }) : () -> ()
      "tpu.region"() ({
        %run_scoped3A = tpu.sem_alloc : memref<!tpu.dma_semaphore, #tpu.memory_space<semaphore_mem>>
        %dma_start3A_81 = tpu.memref_slice %arg5[%add3A_37] : memref<323584xi32, #tpu.memory_space<hbm>> -> memref<128xi32, #tpu.memory_space<hbm>>
        %dma_start3A_82 = tpu.memref_slice %arg5[%add3A_37] : memref<323584xi32, #tpu.memory_space<hbm>> -> memref<128xi32, #tpu.memory_space<hbm>>
        tpu.enqueue_dma source(%dma_start3A_82 : memref<128xi32, #tpu.memory_space<hbm>>) target(%arg9 : memref<128xi32, #tpu.memory_space<vmem>>) target_semaphore(%run_scoped3A : memref<!tpu.dma_semaphore, #tpu.memory_space<semaphore_mem>>)
        %dma_wait3A_83 = tpu.memref_slice %arg5[%add3A_37] : memref<323584xi32, #tpu.memory_space<hbm>> -> memref<128xi32, #tpu.memory_space<hbm>>
        %dma_wait3A_84 = tpu.memref_slice %arg5[%add3A_37] : memref<323584xi32, #tpu.memory_space<hbm>> -> memref<128xi32, #tpu.memory_space<hbm>>
        tpu.wait_dma2 semaphore(%run_scoped3A : memref<!tpu.dma_semaphore, #tpu.memory_space<semaphore_mem>>) src(%dma_wait3A_84 : memref<128xi32, #tpu.memory_space<hbm>>) dst(%arg9 : memref<128xi32, #tpu.memory_space<vmem>>)
        tpu.yield
      }) : () -> ()
      %dma_start3A = arith.constant 0 : i32
      %dma_start3A_38 = arith.constant 0 : i32
      %dma_start3A_39 = tpu.memref_slice %arg2[%dma_start3A, %dma_start3A_38] : memref<10240x128xf32, #tpu.memory_space<hbm>> -> memref<10240x128xf32, #tpu.memory_space<hbm>>
      tpu.enqueue_indirect_dma source(%dma_start3A_39 : memref<10240x128xf32, #tpu.memory_space<hbm>>) target(%arg10 : memref<128x128xf32, #tpu.memory_space<vmem>>) offsets(%arg8 : memref<128xi32, #tpu.memory_space<vmem>>) semaphore(%arg14 : memref<!tpu.dma_semaphore, #tpu.memory_space<semaphore_mem>>)
      %dma_wait3A = arith.constant 0 : i32
      %dma_wait3A_40 = arith.constant 0 : i32
      %dma_wait3A_41 = tpu.memref_slice %arg2[%dma_wait3A, %dma_wait3A_40] : memref<10240x128xf32, #tpu.memory_space<hbm>> -> memref<10240x128xf32, #tpu.memory_space<hbm>>
      tpu.wait_indirect_dma semaphore(%arg14 : memref<!tpu.dma_semaphore, #tpu.memory_space<semaphore_mem>>) src(%dma_wait3A_41 : memref<10240x128xf32, #tpu.memory_space<hbm>>) dst(%arg10 : memref<128x128xf32, #tpu.memory_space<vmem>>)
      "tpu.region"() ({
        %run_scoped3A = tpu.sem_alloc : memref<!tpu.dma_semaphore, #tpu.memory_space<semaphore_mem>>
        %dma_start3A_81 = arith.constant 0 : i32
        %dma_start3A_82 = arith.constant 0 : i32
        %dma_start3A_83 = tpu.memref_slice %arg13[%dma_start3A_81, %dma_start3A_82] : memref<10240x128xf32, #tpu.memory_space<vmem_shared>> -> memref<10240x128xf32, #tpu.memory_space<vmem_shared>>
        tpu.enqueue_indirect_dma source(%arg10 : memref<128x128xf32, #tpu.memory_space<vmem>>) target(%dma_start3A_83 : memref<10240x128xf32, #tpu.memory_space<vmem_shared>>) offsets(%arg9 : memref<128xi32, #tpu.memory_space<vmem>>) semaphore(%run_scoped3A : memref<!tpu.dma_semaphore, #tpu.memory_space<semaphore_mem>>) {add = true}
        %dma_wait3A_84 = arith.constant 0 : i32
        %dma_wait3A_85 = arith.constant 0 : i32
        %dma_wait3A_86 = tpu.memref_slice %arg13[%dma_wait3A_84, %dma_wait3A_85] : memref<10240x128xf32, #tpu.memory_space<vmem_shared>> -> memref<10240x128xf32, #tpu.memory_space<vmem_shared>>
        tpu.wait_indirect_dma semaphore(%run_scoped3A : memref<!tpu.dma_semaphore, #tpu.memory_space<semaphore_mem>>) src(%arg10 : memref<128x128xf32, #tpu.memory_space<vmem>>) dst(%dma_wait3A_86 : memref<10240x128xf32, #tpu.memory_space<vmem_shared>>)
        tpu.yield
      }) : () -> ()
      %get3A = arith.constant 0 : index
      %get3A_42 = tpu.vector_load %arg8[%get3A] {strides = array<i32>} : memref<128xi32, #tpu.memory_space<vmem>>, vector<16xi32>,
      %get3A_43 = arith.constant 0 : index
      %get3A_44 = tpu.vector_load %arg9[%get3A_43] {strides = array<i32>} : memref<128xi32, #tpu.memory_space<vmem>>, vector<16xi32>,
      %gather3A = tpu.vector_load_idx %arg11[%get3A_42] : memref<10240xf32, #tpu.memory_space<vmem>>[vector<16xi32>], vector<16xf32>,
      tpu.vector_store_idx %arg12[%get3A_44], %gather3A {add = true} : memref<10240xf32, #tpu.memory_space<vmem>>[vector<16xi32>], vector<16xf32>,
      %get3A_45 = arith.constant 16 : index
      %get3A_46 = tpu.vector_load %arg8[%get3A_45] {strides = array<i32>} : memref<128xi32, #tpu.memory_space<vmem>>, vector<16xi32>,
      %get3A_47 = arith.constant 16 : index
      %get3A_48 = tpu.vector_load %arg9[%get3A_47] {strides = array<i32>} : memref<128xi32, #tpu.memory_space<vmem>>, vector<16xi32>,
      %gather3A_49 = tpu.vector_load_idx %arg11[%get3A_46] : memref<10240xf32, #tpu.memory_space<vmem>>[vector<16xi32>], vector<16xf32>,
      tpu.vector_store_idx %arg12[%get3A_48], %gather3A_49 {add = true} : memref<10240xf32, #tpu.memory_space<vmem>>[vector<16xi32>], vector<16xf32>,
      %get3A_50 = arith.constant 32 : index
      %get3A_51 = tpu.vector_load %arg8[%get3A_50] {strides = array<i32>} : memref<128xi32, #tpu.memory_space<vmem>>, vector<16xi32>,
      %get3A_52 = arith.constant 32 : index
      %get3A_53 = tpu.vector_load %arg9[%get3A_52] {strides = array<i32>} : memref<128xi32, #tpu.memory_space<vmem>>, vector<16xi32>,
      %gather3A_54 = tpu.vector_load_idx %arg11[%get3A_51] : memref<10240xf32, #tpu.memory_space<vmem>>[vector<16xi32>], vector<16xf32>,
      tpu.vector_store_idx %arg12[%get3A_53], %gather3A_54 {add = true} : memref<10240xf32, #tpu.memory_space<vmem>>[vector<16xi32>], vector<16xf32>,
      %get3A_55 = arith.constant 48 : index
      %get3A_56 = tpu.vector_load %arg8[%get3A_55] {strides = array<i32>} : memref<128xi32, #tpu.memory_space<vmem>>, vector<16xi32>,
      %get3A_57 = arith.constant 48 : index
      %get3A_58 = tpu.vector_load %arg9[%get3A_57] {strides = array<i32>} : memref<128xi32, #tpu.memory_space<vmem>>, vector<16xi32>,
      %gather3A_59 = tpu.vector_load_idx %arg11[%get3A_56] : memref<10240xf32, #tpu.memory_space<vmem>>[vector<16xi32>], vector<16xf32>,
      tpu.vector_store_idx %arg12[%get3A_58], %gather3A_59 {add = true} : memref<10240xf32, #tpu.memory_space<vmem>>[vector<16xi32>], vector<16xf32>,
      %get3A_60 = arith.constant 64 : index
      %get3A_61 = tpu.vector_load %arg8[%get3A_60] {strides = array<i32>} : memref<128xi32, #tpu.memory_space<vmem>>, vector<16xi32>,
      %get3A_62 = arith.constant 64 : index
      %get3A_63 = tpu.vector_load %arg9[%get3A_62] {strides = array<i32>} : memref<128xi32, #tpu.memory_space<vmem>>, vector<16xi32>,
      %gather3A_64 = tpu.vector_load_idx %arg11[%get3A_61] : memref<10240xf32, #tpu.memory_space<vmem>>[vector<16xi32>], vector<16xf32>,
      tpu.vector_store_idx %arg12[%get3A_63], %gather3A_64 {add = true} : memref<10240xf32, #tpu.memory_space<vmem>>[vector<16xi32>], vector<16xf32>,
      %get3A_65 = arith.constant 80 : index
      %get3A_66 = tpu.vector_load %arg8[%get3A_65] {strides = array<i32>} : memref<128xi32, #tpu.memory_space<vmem>>, vector<16xi32>,
      %get3A_67 = arith.constant 80 : index
      %get3A_68 = tpu.vector_load %arg9[%get3A_67] {strides = array<i32>} : memref<128xi32, #tpu.memory_space<vmem>>, vector<16xi32>,
      %gather3A_69 = tpu.vector_load_idx %arg11[%get3A_66] : memref<10240xf32, #tpu.memory_space<vmem>>[vector<16xi32>], vector<16xf32>,
      tpu.vector_store_idx %arg12[%get3A_68], %gather3A_69 {add = true} : memref<10240xf32, #tpu.memory_space<vmem>>[vector<16xi32>], vector<16xf32>,
      %get3A_70 = arith.constant 96 : index
      %get3A_71 = tpu.vector_load %arg8[%get3A_70] {strides = array<i32>} : memref<128xi32, #tpu.memory_space<vmem>>, vector<16xi32>,
      %get3A_72 = arith.constant 96 : index
      %get3A_73 = tpu.vector_load %arg9[%get3A_72] {strides = array<i32>} : memref<128xi32, #tpu.memory_space<vmem>>, vector<16xi32>,
      %gather3A_74 = tpu.vector_load_idx %arg11[%get3A_71] : memref<10240xf32, #tpu.memory_space<vmem>>[vector<16xi32>], vector<16xf32>,
      tpu.vector_store_idx %arg12[%get3A_73], %gather3A_74 {add = true} : memref<10240xf32, #tpu.memory_space<vmem>>[vector<16xi32>], vector<16xf32>,
      %get3A_75 = arith.constant 112 : index
      %get3A_76 = tpu.vector_load %arg8[%get3A_75] {strides = array<i32>} : memref<128xi32, #tpu.memory_space<vmem>>, vector<16xi32>,
      %get3A_77 = arith.constant 112 : index
      %get3A_78 = tpu.vector_load %arg9[%get3A_77] {strides = array<i32>} : memref<128xi32, #tpu.memory_space<vmem>>, vector<16xi32>,
      %gather3A_79 = tpu.vector_load_idx %arg11[%get3A_76] : memref<10240xf32, #tpu.memory_space<vmem>>[vector<16xi32>], vector<16xf32>,
      tpu.vector_store_idx %arg12[%get3A_78], %gather3A_79 {add = true} : memref<10240xf32, #tpu.memory_space<vmem>>[vector<16xi32>], vector<16xf32>,
      %scan3A_80 = arith.constant 0 : i32
      scf.yield %scan3A_80 : i32
    }
    %scan3A_29 = arith.constant 79 : i32
    %barrier3A_30 = arith.constant 0 : index
    tpu.barrier barrier_id(%barrier3A_30)
    "tpu.region"() ({
      %run_scoped3A = tpu.sem_alloc : memref<!tpu.dma_semaphore, #tpu.memory_space<semaphore_mem>>
      %dma_start3A = arith.constant 0 : i32
      %dma_start3A_31 = tpu.memref_slice %arg6[%arg0, %mul3A_15, %dma_start3A] : memref<2x10240x128xf32, #tpu.memory_space<hbm>> -> memref<1x640x128xf32, #tpu.memory_space<hbm>>
      %dma_start3A_32 = tpu.memref_squeeze %dma_start3A_31 : memref<1x640x128xf32, #tpu.memory_space<hbm>> -> memref<640x128xf32, #tpu.memory_space<hbm>>
      %dma_start3A_33 = arith.constant 0 : i32
      %dma_start3A_34 = tpu.memref_slice %arg13[%mul3A_15, %dma_start3A_33] : memref<10240x128xf32, #tpu.memory_space<vmem_shared>> -> memref<640x128xf32, #tpu.memory_space<vmem_shared>>
      tpu.enqueue_dma source(%dma_start3A_34 : memref<640x128xf32, #tpu.memory_space<vmem_shared>>) target(%dma_start3A_32 : memref<640x128xf32, #tpu.memory_space<hbm>>) target_semaphore(%run_scoped3A : memref<!tpu.dma_semaphore, #tpu.memory_space<semaphore_mem>>)
      %dma_wait3A = arith.constant 0 : i32
      %dma_wait3A_35 = tpu.memref_slice %arg6[%arg0, %mul3A_15, %dma_wait3A] : memref<2x10240x128xf32, #tpu.memory_space<hbm>> -> memref<1x640x128xf32, #tpu.memory_space<hbm>>
      %dma_wait3A_36 = tpu.memref_squeeze %dma_wait3A_35 : memref<1x640x128xf32, #tpu.memory_space<hbm>> -> memref<640x128xf32, #tpu.memory_space<hbm>>
      %dma_wait3A_37 = arith.constant 0 : i32
      %dma_wait3A_38 = tpu.memref_slice %arg13[%mul3A_15, %dma_wait3A_37] : memref<10240x128xf32, #tpu.memory_space<vmem_shared>> -> memref<640x128xf32, #tpu.memory_space<vmem_shared>>
      tpu.wait_dma2 semaphore(%run_scoped3A : memref<!tpu.dma_semaphore, #tpu.memory_space<semaphore_mem>>) src(%dma_wait3A_38 : memref<640x128xf32, #tpu.memory_space<vmem_shared>>) dst(%dma_wait3A_36 : memref<640x128xf32, #tpu.memory_space<hbm>>)
      tpu.yield
    }) : () -> ()
    "tpu.region"() ({
      %run_scoped3A = tpu.sem_alloc : memref<!tpu.dma_semaphore, #tpu.memory_space<semaphore_mem>>
      %dma_start3A = arith.constant 0 : i32
      %dma_start3A_31 = tpu.memref_slice %arg7[%add3A, %dma_start3A] : memref<32x10240xf32, #tpu.memory_space<hbm>> -> memref<1x10240xf32, #tpu.memory_space<hbm>>
      %dma_start3A_32 = tpu.memref_squeeze %dma_start3A_31 : memref<1x10240xf32, #tpu.memory_space<hbm>> -> memref<10240xf32, #tpu.memory_space<hbm>>
      %dma_start3A_33 = arith.constant 0 : i32
      %dma_start3A_34 = tpu.memref_slice %arg7[%add3A, %dma_start3A_33] : memref<32x10240xf32, #tpu.memory_space<hbm>> -> memref<1x10240xf32, #tpu.memory_space<hbm>>
      %dma_start3A_35 = tpu.memref_squeeze %dma_start3A_34 : memref<1x10240xf32, #tpu.memory_space<hbm>> -> memref<10240xf32, #tpu.memory_space<hbm>>
      tpu.enqueue_dma source(%arg12 : memref<10240xf32, #tpu.memory_space<vmem>>) target(%dma_start3A_35 : memref<10240xf32, #tpu.memory_space<hbm>>) target_semaphore(%run_scoped3A : memref<!tpu.dma_semaphore, #tpu.memory_space<semaphore_mem>>)
      %dma_wait3A = arith.constant 0 : i32
      %dma_wait3A_36 = tpu.memref_slice %arg7[%add3A, %dma_wait3A] : memref<32x10240xf32, #tpu.memory_space<hbm>> -> memref<1x10240xf32, #tpu.memory_space<hbm>>
      %dma_wait3A_37 = tpu.memref_squeeze %dma_wait3A_36 : memref<1x10240xf32, #tpu.memory_space<hbm>> -> memref<10240xf32, #tpu.memory_space<hbm>>
      %dma_wait3A_38 = arith.constant 0 : i32
      %dma_wait3A_39 = tpu.memref_slice %arg7[%add3A, %dma_wait3A_38] : memref<32x10240xf32, #tpu.memory_space<hbm>> -> memref<1x10240xf32, #tpu.memory_space<hbm>>
      %dma_wait3A_40 = tpu.memref_squeeze %dma_wait3A_39 : memref<1x10240xf32, #tpu.memory_space<hbm>> -> memref<10240xf32, #tpu.memory_space<hbm>>
      tpu.wait_dma2 semaphore(%run_scoped3A : memref<!tpu.dma_semaphore, #tpu.memory_space<semaphore_mem>>) src(%arg12 : memref<10240xf32, #tpu.memory_space<vmem>>) dst(%dma_wait3A_40 : memref<10240xf32, #tpu.memory_space<hbm>>)
      tpu.yield
    }) : () -> ()
    return
  }
}

module attributes {stable_mosaic.version = 14 : i64} {
  func.func @_h_body(%arg0: i32, %arg1: memref<2x1024x128xf32, #tpu.memory_space<vmem>>, %arg2: memref<32x1024xf32, #tpu.memory_space<vmem>>, %arg3: memref<1024x128xf32, #tpu.memory_space<vmem>>, %arg4: memref<128x128xf32, #tpu.memory_space<vmem>>, %arg5: memref<128x128xf32, #tpu.memory_space<vmem>>, %arg6: memref<1x128xf32, #tpu.memory_space<vmem>>, %arg7: memref<1024x128xf32, #tpu.memory_space<vmem>>) attributes {dimension_semantics = [#tpu.dimension_semantics<arbitrary>], iteration_bounds = array<i64: 10>, scalar_prefetch = 0 : i64, scratch_operands = 0 : i64, tpu.core_type = #tpu.core_type<tc>, window_params = [{transform_indices = @transform_0, window_bounds = array<i64: 2, 1024, 128>}, {transform_indices = @transform_1, window_bounds = array<i64: 32, 1024>}, {transform_indices = @transform_2, window_bounds = array<i64: 1024, 128>}, {pipeline_mode = #tpu.pipeline_mode<synchronous>, transform_indices = @transform_3, window_bounds = array<i64: 128, 128>}, {pipeline_mode = #tpu.pipeline_mode<synchronous>, transform_indices = @transform_4, window_bounds = array<i64: 128, 128>}, {pipeline_mode = #tpu.pipeline_mode<synchronous>, transform_indices = @transform_5, window_bounds = array<i64: 1, 128>}, {transform_indices = @transform_6, window_bounds = array<i64: 1024, 128>}]} {
    %get3A = arith.constant 0 : index
    %get3A_0 = arith.constant 0 : index
    %get3A_1 = arith.constant 0 : index
    %get3A_2 = vector.load %arg1[%get3A, %get3A_0, %get3A_1] : memref<2x1024x128xf32, #tpu.memory_space<vmem>>, vector<1x1024x128xf32>
    %get3A_3 = vector.shape_cast %get3A_2 : vector<1x1024x128xf32> to vector<1024x128xf32>
    %get3A_4 = arith.constant 1 : index
    %get3A_5 = arith.constant 0 : index
    %get3A_6 = arith.constant 0 : index
    %get3A_7 = vector.load %arg1[%get3A_4, %get3A_5, %get3A_6] : memref<2x1024x128xf32, #tpu.memory_space<vmem>>, vector<1x1024x128xf32>
    %get3A_8 = vector.shape_cast %get3A_7 : vector<1x1024x128xf32> to vector<1024x128xf32>
    %add3A = arith.addf %get3A_3, %get3A_8 : vector<1024x128xf32>
    %broadcast_in_dim3A = arith.constant 1.000000e+00 : f32
    %broadcast_in_dim3A_9 = vector.broadcast %broadcast_in_dim3A : f32 to vector<32x1xf32>
    %get3A_10 = arith.constant 0 : index
    %get3A_11 = arith.constant 0 : index
    %get3A_12 = vector.load %arg2[%get3A_10, %get3A_11] : memref<32x1024xf32, #tpu.memory_space<vmem>>, vector<32x1024xf32>
    %dot_general3A = arith.constant dense<0.000000e+00> : vector<1024x1xf32>
    %dot_general3A_13 = tpu.matmul %get3A_12, %broadcast_in_dim3A_9, %dot_general3A {dimension_numbers = #tpu.dot_dimension_numbers<[0], [0], [1], [1], [0, 1, 1, 1], [], []>, transpose_lhs_hint = false} : vector<32x1024xf32>, vector<32x1xf32>, vector<1024x1xf32> -> vector<1024x1xf32>
    %max3A = arith.constant 1.000000e+00 : f32
    %max3A_14 = vector.broadcast %max3A : f32 to vector<1024x1xf32>
    %max3A_15 = arith.maximumf %dot_general3A_13, %max3A_14 : vector<1024x1xf32>
    %div3A = vector.broadcast %max3A_15 : vector<1024x1xf32> to vector<1024x128xf32>
    %div3A_16 = arith.divf %add3A, %div3A : vector<1024x128xf32>
    %get3A_17 = arith.constant 0 : index
    %get3A_18 = arith.constant 0 : index
    %get3A_19 = vector.load %arg4[%get3A_17, %get3A_18] : memref<128x128xf32, #tpu.memory_space<vmem>>, vector<128x128xf32>
    %dot_general3A_20 = arith.constant dense<0.000000e+00> : vector<1024x128xf32>
    %dot_general3A_21 = tpu.matmul %div3A_16, %get3A_19, %dot_general3A_20 {dimension_numbers = #tpu.dot_dimension_numbers<[1], [0], [0], [1], [0, 0, 1, 1], [], []>, transpose_lhs_hint = false} : vector<1024x128xf32>, vector<128x128xf32>, vector<1024x128xf32> -> vector<1024x128xf32>
    %get3A_22 = arith.constant 0 : index
    %get3A_23 = arith.constant 0 : index
    %get3A_24 = vector.load %arg3[%get3A_22, %get3A_23] : memref<1024x128xf32, #tpu.memory_space<vmem>>, vector<1024x128xf32>
    %get3A_25 = arith.constant 0 : index
    %get3A_26 = arith.constant 0 : index
    %get3A_27 = vector.load %arg5[%get3A_25, %get3A_26] : memref<128x128xf32, #tpu.memory_space<vmem>>, vector<128x128xf32>
    %dot_general3A_28 = arith.constant dense<0.000000e+00> : vector<1024x128xf32>
    %dot_general3A_29 = tpu.matmul %get3A_24, %get3A_27, %dot_general3A_28 {dimension_numbers = #tpu.dot_dimension_numbers<[1], [0], [0], [1], [0, 0, 1, 1], [], []>, transpose_lhs_hint = false} : vector<1024x128xf32>, vector<128x128xf32>, vector<1024x128xf32> -> vector<1024x128xf32>
    %add3A_30 = arith.addf %dot_general3A_21, %dot_general3A_29 : vector<1024x128xf32>
    %get3A_31 = arith.constant 0 : index
    %get3A_32 = arith.constant 0 : index
    %get3A_33 = vector.load %arg6[%get3A_31, %get3A_32] : memref<1x128xf32, #tpu.memory_space<vmem>>, vector<1x128xf32>
    %add3A_34 = vector.broadcast %get3A_33 : vector<1x128xf32> to vector<1024x128xf32>
    %add3A_35 = arith.addf %add3A_30, %add3A_34 : vector<1024x128xf32>
    %max3A_36 = arith.constant 0.000000e+00 : f32
    %max3A_37 = vector.broadcast %max3A_36 : f32 to vector<1024x128xf32>
    %max3A_38 = arith.maximumf %add3A_35, %max3A_37 : vector<1024x128xf32>
    %swap3A = arith.constant 0 : index
    %swap3A_39 = arith.constant 0 : index
    %swap3A_40 = vector.load %arg7[%swap3A, %swap3A_39] : memref<1024x128xf32, #tpu.memory_space<vmem>>, vector<1024x128xf32>
    tpu.vector_store %arg7[%swap3A, %swap3A_39], %max3A_38 {strides = array<i32>} : memref<1024x128xf32, #tpu.memory_space<vmem>>, vector<1024x128xf32>,
    return
  }
  func.func @transform_0(%arg0: i32) -> (i32, i32, i32) {
    %c0_i32 = arith.constant 0 : i32
    %c0_i32_0 = arith.constant 0 : i32
    %c0_i32_1 = arith.constant 0 : i32
    return %c0_i32, %arg0, %c0_i32_0 : i32, i32, i32
  }
  func.func @transform_1(%arg0: i32) -> (i32, i32) {
    %c0_i32 = arith.constant 0 : i32
    %c0_i32_0 = arith.constant 0 : i32
    return %c0_i32, %arg0 : i32, i32
  }
  func.func @transform_2(%arg0: i32) -> (i32, i32) {
    %c0_i32 = arith.constant 0 : i32
    %c0_i32_0 = arith.constant 0 : i32
    return %arg0, %c0_i32 : i32, i32
  }
  func.func @transform_3(%arg0: i32) -> (i32, i32) {
    %c0_i32 = arith.constant 0 : i32
    %c0_i32_0 = arith.constant 0 : i32
    %c0_i32_1 = arith.constant 0 : i32
    return %c0_i32, %c0_i32_0 : i32, i32
  }
  func.func @transform_4(%arg0: i32) -> (i32, i32) {
    %c0_i32 = arith.constant 0 : i32
    %c0_i32_0 = arith.constant 0 : i32
    %c0_i32_1 = arith.constant 0 : i32
    return %c0_i32, %c0_i32_0 : i32, i32
  }
  func.func @transform_5(%arg0: i32) -> (i32, i32) {
    %c0_i32 = arith.constant 0 : i32
    %c0_i32_0 = arith.constant 0 : i32
    %c0_i32_1 = arith.constant 0 : i32
    return %c0_i32, %c0_i32_0 : i32, i32
  }
  func.func @transform_6(%arg0: i32) -> (i32, i32) {
    %c0_i32 = arith.constant 0 : i32
    %c0_i32_0 = arith.constant 0 : i32
    return %arg0, %c0_i32 : i32, i32
  }
}

module attributes {stable_mosaic.version = 14 : i64} {
  func.func @_pool1_body(%arg0: memref<10240x128xf32, #tpu.memory_space<vmem>>, %arg1: memref<10240x1xi32, #tpu.memory_space<vmem>>, %arg2: memref<1x128xf32, #tpu.memory_space<vmem>>, %arg3: memref<10240x128xf32, #tpu.memory_space<vmem>>, %arg4: memref<10240x1xf32, #tpu.memory_space<vmem>>, %arg5: memref<64x128xf32, #tpu.memory_space<vmem>>, %arg6: memref<64x128xf32, #tpu.memory_space<vmem>>, %arg7: memref<64x1xf32, #tpu.memory_space<vmem>>) attributes {dimension_semantics = [], scalar_prefetch = 0 : i64, scratch_operands = 0 : i64, tpu.core_type = #tpu.core_type<tc>} {
    %get3A = arith.constant 0 : index
    %get3A_0 = arith.constant 0 : index
    %get3A_1 = vector.load %arg0[%get3A, %get3A_0] : memref<10240x128xf32, #tpu.memory_space<vmem>>, vector<10240x128xf32>
    %get3A_2 = arith.constant 0 : index
    %get3A_3 = arith.constant 0 : index
    %get3A_4 = vector.load %arg1[%get3A_2, %get3A_3] : memref<10240x1xi32, #tpu.memory_space<vmem>>, vector<10240x1xi32>
    %iota3A = tpu.iota {dimensions = array<i32: 0>} : vector<10240x1xi32>
    %lt3A = arith.constant 10000 : i32
    %lt3A_5 = vector.broadcast %lt3A : i32 to vector<10240x1xi32>
    %lt3A_6 = arith.cmpi slt, %iota3A, %lt3A_5 : vector<10240x1xi32>
    %iota3A_7 = tpu.iota {dimensions = array<i32: 1>} : vector<1x64xi32>
    %eq3A = vector.broadcast %get3A_4 : vector<10240x1xi32> to vector<10240x64xi32>
    %eq3A_8 = vector.broadcast %iota3A_7 : vector<1x64xi32> to vector<10240x64xi32>
    %eq3A_9 = arith.cmpi eq, %eq3A, %eq3A_8 : vector<10240x64xi32>
    %convert_element_type3A = arith.extui %eq3A_9 : vector<10240x64xi1> to vector<10240x64xi32>
    %convert_element_type3A_10 = arith.sitofp %convert_element_type3A : vector<10240x64xi32> to vector<10240x64xf32>
    %reduce_sum3A = arith.constant dense<0.000000e+00> : vector<64xf32>
    %reduce_sum3A_11 = vector.multi_reduction <add>, %convert_element_type3A_10, %reduce_sum3A [0] : vector<10240x64xf32> to vector<64xf32>
    %broadcast_in_dim3A = vector.shape_cast %reduce_sum3A_11 : vector<64xf32> to vector<64x1xf32>
    %get3A_12 = arith.constant 0 : index
    %get3A_13 = arith.constant 0 : index
    %get3A_14 = vector.load %arg2[%get3A_12, %get3A_13] : memref<1x128xf32, #tpu.memory_space<vmem>>, vector<1x128xf32>
    %iota3A_15 = tpu.iota {dimensions = array<i32: 1>} : vector<1x64xi32>
    %eq3A_16 = vector.broadcast %get3A_4 : vector<10240x1xi32> to vector<10240x64xi32>
    %eq3A_17 = vector.broadcast %iota3A_15 : vector<1x64xi32> to vector<10240x64xi32>
    %eq3A_18 = arith.cmpi eq, %eq3A_16, %eq3A_17 : vector<10240x64xi32>
    %convert_element_type3A_19 = arith.extui %eq3A_18 : vector<10240x64xi1> to vector<10240x64xi32>
    %convert_element_type3A_20 = arith.sitofp %convert_element_type3A_19 : vector<10240x64xi32> to vector<10240x64xf32>
    %mul3A = arith.mulf %get3A_14, %get3A_14 : vector<1x128xf32>
    %reduce_sum3A_21 = vector.shape_cast %mul3A : vector<1x128xf32> to vector<1x1x128xf32>
    %reduce_sum3A_22 = arith.constant dense<0.000000e+00> : vector<1xf32>
    %reduce_sum3A_23 = vector.multi_reduction <add>, %reduce_sum3A_21, %reduce_sum3A_22 [1, 2] : vector<1x1x128xf32> to vector<1xf32>
    %reduce_sum3A_24 = vector.shape_cast %reduce_sum3A_23 : vector<1xf32> to vector<1x1x1xf32>
    %reduce_sum3A_25 = vector.extract %reduce_sum3A_24[0, 0, 0] : f32 from vector<1x1x1xf32>
    %sqrt3A = math.sqrt %reduce_sum3A_25 : f32
    %dot_general3A = arith.constant dense<0.000000e+00> : vector<10240x1xf32>
    %dot_general3A_26 = tpu.matmul %get3A_1, %get3A_14, %dot_general3A {dimension_numbers = #tpu.dot_dimension_numbers<[1], [1], [0], [0], [0, 0, 1, 0], [], []>, transpose_lhs_hint = false} : vector<10240x128xf32>, vector<1x128xf32>, vector<10240x1xf32> -> vector<10240x1xf32>
    %div3A = vector.broadcast %sqrt3A : f32 to vector<10240x1xf32>
    %div3A_27 = arith.divf %dot_general3A_26, %div3A : vector<10240x1xf32>
    %tanh3A = math.tanh %div3A_27 : vector<10240x1xf32>
    %jit3A = arith.constant -2.000000e+00 : f32
    %broadcast_in_dim3A_28 = vector.broadcast %jit3A : f32 to vector<10240x1xf32>
    %select_n3A = arith.select %lt3A_6, %tanh3A, %broadcast_in_dim3A_28 : vector<10240x1xi1>, vector<10240x1xf32>
    %mul3A_29 = arith.constant 4.000000e+00 : f32
    %mul3A_30 = vector.broadcast %mul3A_29 : f32 to vector<64x1xf32>
    %mul3A_31 = arith.mulf %mul3A_30, %broadcast_in_dim3A : vector<64x1xf32>
    %add3A = arith.constant 4.000000e+00 : f32
    %add3A_32 = vector.broadcast %add3A : f32 to vector<64x1xf32>
    %add3A_33 = arith.addf %mul3A_31, %add3A_32 : vector<64x1xf32>
    %div3A_34 = arith.constant 5.000000e+00 : f32
    %div3A_35 = vector.broadcast %div3A_34 : f32 to vector<64x1xf32>
    %div3A_36 = arith.divf %add3A_33, %div3A_35 : vector<64x1xf32>
    %floor3A = math.floor %div3A_36 : vector<64x1xf32>
    %broadcast_in_dim3A_37 = arith.constant -3.000000e+00 : f32
    %broadcast_in_dim3A_38 = vector.broadcast %broadcast_in_dim3A_37 : f32 to vector<64x1xf32>
    %broadcast_in_dim3A_39 = arith.constant 1.000000e+00 : f32
    %broadcast_in_dim3A_40 = vector.broadcast %broadcast_in_dim3A_39 : f32 to vector<64x1xf32>
    %scan3A = arith.constant 0 : i32
    %scan3A_41 = arith.constant 44 : i32
    %scan3A_42 = arith.addi %scan3A, %scan3A_41 : i32
    %scan3A_43 = arith.constant 1 : i32
    %scan3A_44:2 = scf.for %scan3A_87 = %scan3A to %scan3A_42 step %scan3A_43 iter_args(%scan3A_88 = %broadcast_in_dim3A_38, %scan3A_89 = %broadcast_in_dim3A_40) -> (vector<64x1xf32>, vector<64x1xf32>)  : i32 {
      %add3A_90 = arith.addf %scan3A_88, %scan3A_89 : vector<64x1xf32>
      %mul3A_91 = arith.constant 5.000000e-01 : f32
      %mul3A_92 = vector.broadcast %mul3A_91 : f32 to vector<64x1xf32>
      %mul3A_93 = arith.mulf %mul3A_92, %add3A_90 : vector<64x1xf32>
      %dot_general3A_94 = arith.constant dense<0.000000e+00> : vector<10240x1xf32>
      %dot_general3A_95 = tpu.matmul %convert_element_type3A_20, %mul3A_93, %dot_general3A_94 {dimension_numbers = #tpu.dot_dimension_numbers<[1], [0], [0], [1], [0, 0, 1, 1], [], []>, transpose_lhs_hint = false} : vector<10240x64xf32>, vector<64x1xf32>, vector<10240x1xf32> -> vector<10240x1xf32>
      %ge3A_96 = arith.cmpf oge, %select_n3A, %dot_general3A_95 : vector<10240x1xf32>
      %convert_element_type3A_97 = arith.extui %ge3A_96 : vector<10240x1xi1> to vector<10240x1xi32>
      %convert_element_type3A_98 = arith.sitofp %convert_element_type3A_97 : vector<10240x1xi32> to vector<10240x1xf32>
      %dot_general3A_99 = arith.constant dense<0.000000e+00> : vector<64x1xf32>
      %dot_general3A_100 = tpu.matmul %convert_element_type3A_20, %convert_element_type3A_98, %dot_general3A_99 {dimension_numbers = #tpu.dot_dimension_numbers<[0], [0], [1], [1], [0, 1, 1, 1], [], []>, transpose_lhs_hint = false} : vector<10240x64xf32>, vector<10240x1xf32>, vector<64x1xf32> -> vector<64x1xf32>
      %ge3A_101 = arith.cmpf oge, %dot_general3A_100, %floor3A : vector<64x1xf32>
      %select_n3A_102 = arith.select %ge3A_101, %mul3A_93, %scan3A_88 : vector<64x1xi1>, vector<64x1xf32>
      %select_n3A_103 = arith.select %ge3A_101, %scan3A_89, %mul3A_93 : vector<64x1xi1>, vector<64x1xf32>
      scf.yield %select_n3A_102, %select_n3A_103 : vector<64x1xf32>, vector<64x1xf32>
    }
    %dot_general3A_45 = arith.constant dense<0.000000e+00> : vector<10240x1xf32>
    %dot_general3A_46 = tpu.matmul %convert_element_type3A_20, %scan3A_44#0, %dot_general3A_45 {dimension_numbers = #tpu.dot_dimension_numbers<[1], [0], [0], [1], [0, 0, 1, 1], [], []>, transpose_lhs_hint = false} : vector<10240x64xf32>, vector<64x1xf32>, vector<10240x1xf32> -> vector<10240x1xf32>
    %ge3A = arith.cmpf oge, %select_n3A, %dot_general3A_46 : vector<10240x1xf32>
    %convert_element_type3A_47 = arith.extui %ge3A : vector<10240x1xi1> to vector<10240x1xi32>
    %convert_element_type3A_48 = arith.sitofp %convert_element_type3A_47 : vector<10240x1xi32> to vector<10240x1xf32>
    %mul3A_49 = arith.mulf %tanh3A, %convert_element_type3A_48 : vector<10240x1xf32>
    %mul3A_50 = vector.broadcast %mul3A_49 : vector<10240x1xf32> to vector<10240x128xf32>
    %mul3A_51 = arith.mulf %get3A_1, %mul3A_50 : vector<10240x128xf32>
    %dot_general3A_52 = arith.constant dense<0.000000e+00> : vector<64x128xf32>
    %dot_general3A_53 = tpu.matmul %convert_element_type3A_20, %mul3A_51, %dot_general3A_52 {dimension_numbers = #tpu.dot_dimension_numbers<[0], [0], [1], [1], [0, 1, 1, 1], [], []>, transpose_lhs_hint = false} : vector<10240x64xf32>, vector<10240x128xf32>, vector<64x128xf32> -> vector<64x128xf32>
    %max3A = arith.constant 1.000000e+00 : f32
    %max3A_54 = vector.broadcast %max3A : f32 to vector<64x1xf32>
    %max3A_55 = arith.maximumf %floor3A, %max3A_54 : vector<64x1xf32>
    %div3A_56 = vector.broadcast %max3A_55 : vector<64x1xf32> to vector<64x128xf32>
    %div3A_57 = arith.divf %dot_general3A_53, %div3A_56 : vector<64x128xf32>
    %swap3A = arith.constant 0 : index
    %swap3A_58 = arith.constant 0 : index
    %swap3A_59 = vector.load %arg3[%swap3A, %swap3A_58] : memref<10240x128xf32, #tpu.memory_space<vmem>>, vector<10240x128xf32>
    tpu.vector_store %arg3[%swap3A, %swap3A_58], %mul3A_51 {strides = array<i32>} : memref<10240x128xf32, #tpu.memory_space<vmem>>, vector<10240x128xf32>,
    %swap3A_60 = arith.constant 0 : index
    %swap3A_61 = arith.constant 0 : index
    %swap3A_62 = vector.load %arg4[%swap3A_60, %swap3A_61] : memref<10240x1xf32, #tpu.memory_space<vmem>>, vector<10240x1xf32>
    tpu.vector_store %arg4[%swap3A_60, %swap3A_61], %convert_element_type3A_48 {strides = array<i32>} : memref<10240x1xf32, #tpu.memory_space<vmem>>, vector<10240x1xf32>,
    %swap3A_63 = arith.constant 0 : index
    %swap3A_64 = arith.constant 0 : index
    %swap3A_65 = vector.load %arg5[%swap3A_63, %swap3A_64] : memref<64x128xf32, #tpu.memory_space<vmem>>, vector<64x128xf32>
    tpu.vector_store %arg5[%swap3A_63, %swap3A_64], %div3A_57 {strides = array<i32>} : memref<64x128xf32, #tpu.memory_space<vmem>>, vector<64x128xf32>,
    %swap3A_66 = arith.constant 0 : index
    %swap3A_67 = arith.constant 0 : index
    %swap3A_68 = vector.load %arg7[%swap3A_66, %swap3A_67] : memref<64x1xf32, #tpu.memory_space<vmem>>, vector<64x1xf32>
    tpu.vector_store %arg7[%swap3A_66, %swap3A_67], %floor3A {strides = array<i32>} : memref<64x1xf32, #tpu.memory_space<vmem>>, vector<64x1xf32>,
    %scan3A_69 = arith.constant 0 : i32
    %scan3A_70 = arith.constant 64 : i32
    %scan3A_71 = arith.addi %scan3A_69, %scan3A_70 : i32
    %scan3A_72 = arith.constant 1 : i32
    scf.for %scan3A_87 = %scan3A_69 to %scan3A_71 step %scan3A_72  : i32 {
      %eq3A_88 = vector.broadcast %scan3A_87 : i32 to vector<10240x1xi32>
      %eq3A_89 = arith.cmpi eq, %get3A_4, %eq3A_88 : vector<10240x1xi32>
      %and3A = arith.andi %eq3A_89, %ge3A : vector<10240x1xi1>
      %jit3A_90 = arith.constant -1.000000e+30 : f32
      %broadcast_in_dim3A_91 = vector.shape_cast %and3A : vector<10240x1xi1> to vector<10240x1xi1>
      %broadcast_in_dim3A_92 = vector.broadcast %broadcast_in_dim3A_91 : vector<10240x1xi1> to vector<10240x128xi1>
      %broadcast_in_dim3A_93 = vector.broadcast %jit3A_90 : f32 to vector<10240x128xf32>
      %select_n3A_94 = arith.select %broadcast_in_dim3A_92, %mul3A_51, %broadcast_in_dim3A_93 : vector<10240x128xi1>, vector<10240x128xf32>
      %reduce_max3A = arith.constant dense<0xFF800000> : vector<128xf32>
      %reduce_max3A_95 = vector.multi_reduction <maximumf>, %select_n3A_94, %reduce_max3A [0] : vector<10240x128xf32> to vector<128xf32>
      %broadcast_in_dim3A_96 = vector.shape_cast %reduce_max3A_95 : vector<128xf32> to vector<1x128xf32>
      %swap3A_97 = arith.index_cast %scan3A_87 : i32 to index
      %swap3A_98 = arith.constant 0 : index
      %swap3A_99 = vector.load %arg6[%swap3A_97, %swap3A_98] : memref<64x128xf32, #tpu.memory_space<vmem>>, vector<1x128xf32>
      tpu.vector_store %arg6[%swap3A_97, %swap3A_98], %broadcast_in_dim3A_96 {strides = array<i32>} : memref<64x128xf32, #tpu.memory_space<vmem>>, vector<1x128xf32>,
    }
    %scan3A_73 = arith.constant 64 : i32
    %gt3A = arith.constant 0.000000e+00 : f32
    %gt3A_74 = vector.broadcast %gt3A : f32 to vector<64x1xf32>
    %gt3A_75 = arith.cmpf ogt, %floor3A, %gt3A_74 : vector<64x1xf32>
    %get3A_76 = arith.constant 0 : index
    %get3A_77 = arith.constant 0 : index
    %get3A_78 = vector.load %arg6[%get3A_76, %get3A_77] : memref<64x128xf32, #tpu.memory_space<vmem>>, vector<64x128xf32>
    %jit3A_79 = arith.constant 0.000000e+00 : f32
    %broadcast_in_dim3A_80 = vector.shape_cast %gt3A_75 : vector<64x1xi1> to vector<64x1xi1>
    %broadcast_in_dim3A_81 = vector.broadcast %broadcast_in_dim3A_80 : vector<64x1xi1> to vector<64x128xi1>
    %broadcast_in_dim3A_82 = vector.broadcast %jit3A_79 : f32 to vector<64x128xf32>
    %select_n3A_83 = arith.select %broadcast_in_dim3A_81, %get3A_78, %broadcast_in_dim3A_82 : vector<64x128xi1>, vector<64x128xf32>
    %swap3A_84 = arith.constant 0 : index
    %swap3A_85 = arith.constant 0 : index
    %swap3A_86 = vector.load %arg6[%swap3A_84, %swap3A_85] : memref<64x128xf32, #tpu.memory_space<vmem>>, vector<64x128xf32>
    tpu.vector_store %arg6[%swap3A_84, %swap3A_85], %select_n3A_83 {strides = array<i32>} : memref<64x128xf32, #tpu.memory_space<vmem>>, vector<64x128xf32>,
    return
  }
}

module attributes {stable_mosaic.version = 14 : i64} {
  func.func @_pool2_body(%arg0: memref<10240x128xf32, #tpu.memory_space<vmem>>, %arg1: memref<10240x1xi32, #tpu.memory_space<vmem>>, %arg2: memref<1x128xf32, #tpu.memory_space<vmem>>, %arg3: memref<10240x1xf32, #tpu.memory_space<vmem>>, %arg4: memref<64x1xf32, #tpu.memory_space<vmem>>, %arg5: memref<64x128xf32, #tpu.memory_space<vmem>>, %arg6: memref<64x128xf32, #tpu.memory_space<vmem>>, %arg7: memref<256x128xf32, #tpu.memory_space<vmem>>, %arg8: memref<1x128xf32, #tpu.memory_space<vmem>>, %arg9: memref<128x128xf32, #tpu.memory_space<vmem>>, %arg10: memref<1x128xf32, #tpu.memory_space<vmem>>, %arg11: memref<64x128xf32, #tpu.memory_space<vmem>>, %arg12: memref<64x128xf32, #tpu.memory_space<vmem>>) attributes {dimension_semantics = [], scalar_prefetch = 0 : i64, scratch_operands = 1 : i64, tpu.core_type = #tpu.core_type<tc>} {
    %get3A = arith.constant 0 : index
    %get3A_0 = arith.constant 0 : index
    %get3A_1 = vector.load %arg0[%get3A, %get3A_0] : memref<10240x128xf32, #tpu.memory_space<vmem>>, vector<10240x128xf32>
    %get3A_2 = arith.constant 0 : index
    %get3A_3 = arith.constant 0 : index
    %get3A_4 = vector.load %arg1[%get3A_2, %get3A_3] : memref<10240x1xi32, #tpu.memory_space<vmem>>, vector<10240x1xi32>
    %iota3A = tpu.iota {dimensions = array<i32: 0>} : vector<10240x1xi32>
    %lt3A = arith.constant 10000 : i32
    %lt3A_5 = vector.broadcast %lt3A : i32 to vector<10240x1xi32>
    %lt3A_6 = arith.cmpi slt, %iota3A, %lt3A_5 : vector<10240x1xi32>
    %get3A_7 = arith.constant 0 : index
    %get3A_8 = arith.constant 0 : index
    %get3A_9 = vector.load %arg3[%get3A_7, %get3A_8] : memref<10240x1xf32, #tpu.memory_space<vmem>>, vector<10240x1xf32>
    %gt3A = arith.constant 5.000000e-01 : f32
    %gt3A_10 = vector.broadcast %gt3A : f32 to vector<10240x1xf32>
    %gt3A_11 = arith.cmpf ogt, %get3A_9, %gt3A_10 : vector<10240x1xf32>
    %and3A = arith.andi %gt3A_11, %lt3A_6 : vector<10240x1xi1>
    %get3A_12 = arith.constant 0 : index
    %get3A_13 = arith.constant 0 : index
    %get3A_14 = vector.load %arg2[%get3A_12, %get3A_13] : memref<1x128xf32, #tpu.memory_space<vmem>>, vector<1x128xf32>
    %get3A_15 = arith.constant 0 : index
    %get3A_16 = arith.constant 0 : index
    %get3A_17 = vector.load %arg4[%get3A_15, %get3A_16] : memref<64x1xf32, #tpu.memory_space<vmem>>, vector<64x1xf32>
    %iota3A_18 = tpu.iota {dimensions = array<i32: 1>} : vector<1x64xi32>
    %eq3A = vector.broadcast %get3A_4 : vector<10240x1xi32> to vector<10240x64xi32>
    %eq3A_19 = vector.broadcast %iota3A_18 : vector<1x64xi32> to vector<10240x64xi32>
    %eq3A_20 = arith.cmpi eq, %eq3A, %eq3A_19 : vector<10240x64xi32>
    %convert_element_type3A = arith.extui %eq3A_20 : vector<10240x64xi1> to vector<10240x64xi32>
    %convert_element_type3A_21 = arith.sitofp %convert_element_type3A : vector<10240x64xi32> to vector<10240x64xf32>
    %mul3A = arith.mulf %get3A_14, %get3A_14 : vector<1x128xf32>
    %reduce_sum3A = vector.shape_cast %mul3A : vector<1x128xf32> to vector<1x1x128xf32>
    %reduce_sum3A_22 = arith.constant dense<0.000000e+00> : vector<1xf32>
    %reduce_sum3A_23 = vector.multi_reduction <add>, %reduce_sum3A, %reduce_sum3A_22 [1, 2] : vector<1x1x128xf32> to vector<1xf32>
    %reduce_sum3A_24 = vector.shape_cast %reduce_sum3A_23 : vector<1xf32> to vector<1x1x1xf32>
    %reduce_sum3A_25 = vector.extract %reduce_sum3A_24[0, 0, 0] : f32 from vector<1x1x1xf32>
    %sqrt3A = math.sqrt %reduce_sum3A_25 : f32
    %dot_general3A = arith.constant dense<0.000000e+00> : vector<10240x1xf32>
    %dot_general3A_26 = tpu.matmul %get3A_1, %get3A_14, %dot_general3A {dimension_numbers = #tpu.dot_dimension_numbers<[1], [1], [0], [0], [0, 0, 1, 0], [], []>, transpose_lhs_hint = false} : vector<10240x128xf32>, vector<1x128xf32>, vector<10240x1xf32> -> vector<10240x1xf32>
    %div3A = vector.broadcast %sqrt3A : f32 to vector<10240x1xf32>
    %div3A_27 = arith.divf %dot_general3A_26, %div3A : vector<10240x1xf32>
    %tanh3A = math.tanh %div3A_27 : vector<10240x1xf32>
    %jit3A = arith.constant -2.000000e+00 : f32
    %broadcast_in_dim3A = vector.broadcast %jit3A : f32 to vector<10240x1xf32>
    %select_n3A = arith.select %and3A, %tanh3A, %broadcast_in_dim3A : vector<10240x1xi1>, vector<10240x1xf32>
    %mul3A_28 = arith.constant 4.000000e+00 : f32
    %mul3A_29 = vector.broadcast %mul3A_28 : f32 to vector<64x1xf32>
    %mul3A_30 = arith.mulf %mul3A_29, %get3A_17 : vector<64x1xf32>
    %add3A = arith.constant 4.000000e+00 : f32
    %add3A_31 = vector.broadcast %add3A : f32 to vector<64x1xf32>
    %add3A_32 = arith.addf %mul3A_30, %add3A_31 : vector<64x1xf32>
    %div3A_33 = arith.constant 5.000000e+00 : f32
    %div3A_34 = vector.broadcast %div3A_33 : f32 to vector<64x1xf32>
    %div3A_35 = arith.divf %add3A_32, %div3A_34 : vector<64x1xf32>
    %floor3A = math.floor %div3A_35 : vector<64x1xf32>
    %broadcast_in_dim3A_36 = arith.constant -3.000000e+00 : f32
    %broadcast_in_dim3A_37 = vector.broadcast %broadcast_in_dim3A_36 : f32 to vector<64x1xf32>
    %broadcast_in_dim3A_38 = arith.constant 1.000000e+00 : f32
    %broadcast_in_dim3A_39 = vector.broadcast %broadcast_in_dim3A_38 : f32 to vector<64x1xf32>
    %scan3A = arith.constant 0 : i32
    %scan3A_40 = arith.constant 44 : i32
    %scan3A_41 = arith.addi %scan3A, %scan3A_40 : i32
    %scan3A_42 = arith.constant 1 : i32
    %scan3A_43:2 = scf.for %scan3A_112 = %scan3A to %scan3A_41 step %scan3A_42 iter_args(%scan3A_113 = %broadcast_in_dim3A_37, %scan3A_114 = %broadcast_in_dim3A_39) -> (vector<64x1xf32>, vector<64x1xf32>)  : i32 {
      %add3A_115 = arith.addf %scan3A_113, %scan3A_114 : vector<64x1xf32>
      %mul3A_116 = arith.constant 5.000000e-01 : f32
      %mul3A_117 = vector.broadcast %mul3A_116 : f32 to vector<64x1xf32>
      %mul3A_118 = arith.mulf %mul3A_117, %add3A_115 : vector<64x1xf32>
      %dot_general3A_119 = arith.constant dense<0.000000e+00> : vector<10240x1xf32>
      %dot_general3A_120 = tpu.matmul %convert_element_type3A_21, %mul3A_118, %dot_general3A_119 {dimension_numbers = #tpu.dot_dimension_numbers<[1], [0], [0], [1], [0, 0, 1, 1], [], []>, transpose_lhs_hint = false} : vector<10240x64xf32>, vector<64x1xf32>, vector<10240x1xf32> -> vector<10240x1xf32>
      %ge3A_121 = arith.cmpf oge, %select_n3A, %dot_general3A_120 : vector<10240x1xf32>
      %convert_element_type3A_122 = arith.extui %ge3A_121 : vector<10240x1xi1> to vector<10240x1xi32>
      %convert_element_type3A_123 = arith.sitofp %convert_element_type3A_122 : vector<10240x1xi32> to vector<10240x1xf32>
      %dot_general3A_124 = arith.constant dense<0.000000e+00> : vector<64x1xf32>
      %dot_general3A_125 = tpu.matmul %convert_element_type3A_21, %convert_element_type3A_123, %dot_general3A_124 {dimension_numbers = #tpu.dot_dimension_numbers<[0], [0], [1], [1], [0, 1, 1, 1], [], []>, transpose_lhs_hint = false} : vector<10240x64xf32>, vector<10240x1xf32>, vector<64x1xf32> -> vector<64x1xf32>
      %ge3A_126 = arith.cmpf oge, %dot_general3A_125, %floor3A : vector<64x1xf32>
      %select_n3A_127 = arith.select %ge3A_126, %mul3A_118, %scan3A_113 : vector<64x1xi1>, vector<64x1xf32>
      %select_n3A_128 = arith.select %ge3A_126, %scan3A_114, %mul3A_118 : vector<64x1xi1>, vector<64x1xf32>
      scf.yield %select_n3A_127, %select_n3A_128 : vector<64x1xf32>, vector<64x1xf32>
    }
    %dot_general3A_44 = arith.constant dense<0.000000e+00> : vector<10240x1xf32>
    %dot_general3A_45 = tpu.matmul %convert_element_type3A_21, %scan3A_43#0, %dot_general3A_44 {dimension_numbers = #tpu.dot_dimension_numbers<[1], [0], [0], [1], [0, 0, 1, 1], [], []>, transpose_lhs_hint = false} : vector<10240x64xf32>, vector<64x1xf32>, vector<10240x1xf32> -> vector<10240x1xf32>
    %ge3A = arith.cmpf oge, %select_n3A, %dot_general3A_45 : vector<10240x1xf32>
    %convert_element_type3A_46 = arith.extui %ge3A : vector<10240x1xi1> to vector<10240x1xi32>
    %convert_element_type3A_47 = arith.sitofp %convert_element_type3A_46 : vector<10240x1xi32> to vector<10240x1xf32>
    %mul3A_48 = arith.mulf %tanh3A, %convert_element_type3A_47 : vector<10240x1xf32>
    %mul3A_49 = vector.broadcast %mul3A_48 : vector<10240x1xf32> to vector<10240x128xf32>
    %mul3A_50 = arith.mulf %get3A_1, %mul3A_49 : vector<10240x128xf32>
    %dot_general3A_51 = arith.constant dense<0.000000e+00> : vector<64x128xf32>
    %dot_general3A_52 = tpu.matmul %convert_element_type3A_21, %mul3A_50, %dot_general3A_51 {dimension_numbers = #tpu.dot_dimension_numbers<[0], [0], [1], [1], [0, 1, 1, 1], [], []>, transpose_lhs_hint = false} : vector<10240x64xf32>, vector<10240x128xf32>, vector<64x128xf32> -> vector<64x128xf32>
    %max3A = arith.constant 1.000000e+00 : f32
    %max3A_53 = vector.broadcast %max3A : f32 to vector<64x1xf32>
    %max3A_54 = arith.maximumf %floor3A, %max3A_53 : vector<64x1xf32>
    %div3A_55 = vector.broadcast %max3A_54 : vector<64x1xf32> to vector<64x128xf32>
    %div3A_56 = arith.divf %dot_general3A_52, %div3A_55 : vector<64x128xf32>
    %scan3A_57 = arith.constant 0 : i32
    %scan3A_58 = arith.constant 64 : i32
    %scan3A_59 = arith.addi %scan3A_57, %scan3A_58 : i32
    %scan3A_60 = arith.constant 1 : i32
    scf.for %scan3A_112 = %scan3A_57 to %scan3A_59 step %scan3A_60  : i32 {
      %eq3A_113 = vector.broadcast %scan3A_112 : i32 to vector<10240x1xi32>
      %eq3A_114 = arith.cmpi eq, %get3A_4, %eq3A_113 : vector<10240x1xi32>
      %and3A_115 = arith.andi %eq3A_114, %ge3A : vector<10240x1xi1>
      %jit3A_116 = arith.constant -1.000000e+30 : f32
      %broadcast_in_dim3A_117 = vector.shape_cast %and3A_115 : vector<10240x1xi1> to vector<10240x1xi1>
      %broadcast_in_dim3A_118 = vector.broadcast %broadcast_in_dim3A_117 : vector<10240x1xi1> to vector<10240x128xi1>
      %broadcast_in_dim3A_119 = vector.broadcast %jit3A_116 : f32 to vector<10240x128xf32>
      %select_n3A_120 = arith.select %broadcast_in_dim3A_118, %mul3A_50, %broadcast_in_dim3A_119 : vector<10240x128xi1>, vector<10240x128xf32>
      %reduce_max3A = arith.constant dense<0xFF800000> : vector<128xf32>
      %reduce_max3A_121 = vector.multi_reduction <maximumf>, %select_n3A_120, %reduce_max3A [0] : vector<10240x128xf32> to vector<128xf32>
      %broadcast_in_dim3A_122 = vector.shape_cast %reduce_max3A_121 : vector<128xf32> to vector<1x128xf32>
      %swap3A_123 = arith.index_cast %scan3A_112 : i32 to index
      %swap3A_124 = arith.constant 0 : index
      %swap3A_125 = vector.load %arg12[%swap3A_123, %swap3A_124] : memref<64x128xf32, #tpu.memory_space<vmem>>, vector<1x128xf32>
      tpu.vector_store %arg12[%swap3A_123, %swap3A_124], %broadcast_in_dim3A_122 {strides = array<i32>} : memref<64x128xf32, #tpu.memory_space<vmem>>, vector<1x128xf32>,
    }
    %scan3A_61 = arith.constant 64 : i32
    %gt3A_62 = arith.constant 0.000000e+00 : f32
    %gt3A_63 = vector.broadcast %gt3A_62 : f32 to vector<64x1xf32>
    %gt3A_64 = arith.cmpf ogt, %floor3A, %gt3A_63 : vector<64x1xf32>
    %get3A_65 = arith.constant 0 : index
    %get3A_66 = arith.constant 0 : index
    %get3A_67 = vector.load %arg12[%get3A_65, %get3A_66] : memref<64x128xf32, #tpu.memory_space<vmem>>, vector<64x128xf32>
    %jit3A_68 = arith.constant 0.000000e+00 : f32
    %broadcast_in_dim3A_69 = vector.shape_cast %gt3A_64 : vector<64x1xi1> to vector<64x1xi1>
    %broadcast_in_dim3A_70 = vector.broadcast %broadcast_in_dim3A_69 : vector<64x1xi1> to vector<64x128xi1>
    %broadcast_in_dim3A_71 = vector.broadcast %jit3A_68 : f32 to vector<64x128xf32>
    %select_n3A_72 = arith.select %broadcast_in_dim3A_70, %get3A_67, %broadcast_in_dim3A_71 : vector<64x128xi1>, vector<64x128xf32>
    %swap3A = arith.constant 0 : index
    %swap3A_73 = arith.constant 0 : index
    %swap3A_74 = vector.load %arg12[%swap3A, %swap3A_73] : memref<64x128xf32, #tpu.memory_space<vmem>>, vector<64x128xf32>
    tpu.vector_store %arg12[%swap3A, %swap3A_73], %select_n3A_72 {strides = array<i32>} : memref<64x128xf32, #tpu.memory_space<vmem>>, vector<64x128xf32>,
    %get3A_75 = arith.constant 0 : index
    %get3A_76 = arith.constant 0 : index
    %get3A_77 = vector.load %arg5[%get3A_75, %get3A_76] : memref<64x128xf32, #tpu.memory_space<vmem>>, vector<64x128xf32>
    %add3A_78 = arith.addf %get3A_77, %div3A_56 : vector<64x128xf32>
    %get3A_79 = arith.constant 0 : index
    %get3A_80 = arith.constant 0 : index
    %get3A_81 = vector.load %arg6[%get3A_79, %get3A_80] : memref<64x128xf32, #tpu.memory_space<vmem>>, vector<64x128xf32>
    %get3A_82 = arith.constant 0 : index
    %get3A_83 = arith.constant 0 : index
    %get3A_84 = vector.load %arg12[%get3A_82, %get3A_83] : memref<64x128xf32, #tpu.memory_space<vmem>>, vector<64x128xf32>
    %add3A_85 = arith.addf %get3A_81, %get3A_84 : vector<64x128xf32>
    %concatenate3A = tpu.concatenate %add3A_78, %add3A_85 in 1 : vector<64x128xf32>, vector<64x128xf32> -> vector<64x256xf32>
    %get3A_86 = arith.constant 0 : index
    %get3A_87 = arith.constant 0 : index
    %get3A_88 = vector.load %arg7[%get3A_86, %get3A_87] : memref<256x128xf32, #tpu.memory_space<vmem>>, vector<256x128xf32>
    %dot_general3A_89 = arith.constant dense<0.000000e+00> : vector<64x128xf32>
    %dot_general3A_90 = tpu.matmul %concatenate3A, %get3A_88, %dot_general3A_89 {dimension_numbers = #tpu.dot_dimension_numbers<[1], [0], [0], [1], [0, 0, 1, 1], [], []>, transpose_lhs_hint = false} : vector<64x256xf32>, vector<256x128xf32>, vector<64x128xf32> -> vector<64x128xf32>
    %get3A_91 = arith.constant 0 : index
    %get3A_92 = arith.constant 0 : index
    %get3A_93 = vector.load %arg8[%get3A_91, %get3A_92] : memref<1x128xf32, #tpu.memory_space<vmem>>, vector<1x128xf32>
    %add3A_94 = vector.broadcast %get3A_93 : vector<1x128xf32> to vector<64x128xf32>
    %add3A_95 = arith.addf %dot_general3A_90, %add3A_94 : vector<64x128xf32>
    %max3A_96 = arith.constant 0.000000e+00 : f32
    %max3A_97 = vector.broadcast %max3A_96 : f32 to vector<64x128xf32>
    %max3A_98 = arith.maximumf %add3A_95, %max3A_97 : vector<64x128xf32>
    %get3A_99 = arith.constant 0 : index
    %get3A_100 = arith.constant 0 : index
    %get3A_101 = vector.load %arg9[%get3A_99, %get3A_100] : memref<128x128xf32, #tpu.memory_space<vmem>>, vector<128x128xf32>
    %dot_general3A_102 = arith.constant dense<0.000000e+00> : vector<64x128xf32>
    %dot_general3A_103 = tpu.matmul %max3A_98, %get3A_101, %dot_general3A_102 {dimension_numbers = #tpu.dot_dimension_numbers<[1], [0], [0], [1], [0, 0, 1, 1], [], []>, transpose_lhs_hint = false} : vector<64x128xf32>, vector<128x128xf32>, vector<64x128xf32> -> vector<64x128xf32>
    %get3A_104 = arith.constant 0 : index
    %get3A_105 = arith.constant 0 : index
    %get3A_106 = vector.load %arg10[%get3A_104, %get3A_105] : memref<1x128xf32, #tpu.memory_space<vmem>>, vector<1x128xf32>
    %add3A_107 = vector.broadcast %get3A_106 : vector<1x128xf32> to vector<64x128xf32>
    %add3A_108 = arith.addf %dot_general3A_103, %add3A_107 : vector<64x128xf32>
    %swap3A_109 = arith.constant 0 : index
    %swap3A_110 = arith.constant 0 : index
    %swap3A_111 = vector.load %arg11[%swap3A_109, %swap3A_110] : memref<64x128xf32, #tpu.memory_space<vmem>>, vector<64x128xf32>
    tpu.vector_store %arg11[%swap3A_109, %swap3A_110], %add3A_108 {strides = array<i32>} : memref<64x128xf32, #tpu.memory_space<vmem>>, vector<64x128xf32>,
    return
  }
}

</mosaic_0001>

<sc_bundles>
// kernel: kernel.11.cloned.1.call-start
scs
__scs_entry_jumppad:
0x0: {  	(pc) =	sbr.rel $0x88, $3  }
0x1: {  	(tag) =	ssettag $0x0;
	lr =	simm.s32 $0x1  }
0x2: {  	[smem:$0x3F92] =	sst lr;
	_ =	strace $0xD0000000  }
0x3: {  	_ = 	snop  }
0x4: {  	_ = 	snop  }
0x5: {  	_ = 	snop  }
0x6: {  	_ = 	snop  }
0x7: {  	_ = 	snop  }
__scs_overlays_trampoline_lowered:
0x8: {  	[smem:$0x3FA1] =	sst s0  }
0x9: {  	[smem:$0x3FA2] =	sst s1  }
0xa: {  	[smem:$0x3FA3] =	sst s2  }
0xb: {  	[smem:$0x3FA4] =	sst s3  }
0xc: {  	[smem:$0x3FA5] =	sst s4  }
0xd: {  	[smem:$0x3FA6] =	sst s5  }
0xe: {  	[smem:$0x3FA7] =	sst s6  }
0xf: {  	[smem:$0x3FA8] =	sst s7  }
0x10: {  	[smem:$0x3FA9] =	sst s8  }
0x11: {  	[smem:$0x3FAA] =	sst s9;
	s0 =	simm.s32 @!p0 $0x0  }
0x12: {  	s1 =	sld [smem:$0x3F90];
	s0 =	simm.s32 @p0 $0x1  }
0x13: {  	[smem:$0x3FAB] =	sst s0;
	s0 =	simm.s32 @!p1 $0x0  }
0x14: {  	s2 =	sld [smem:$0x3F8F];
	s0 =	simm.s32 @p1 $0x1  }
0x15: {  	[smem:$0x3FAC] =	sst s0;
	s0 =	simm.s32 @!p2 $0x0  }
0x16: {  	s3 =	sld [smem:$0x3FDB];
	s0 =	simm.s32 @p2 $0x1  }
0x17: {  	s4 =	simm.s32 $0x1BF5;
	[smem:$0x3FAE] =	sst s0  }
0x18: {  	s0 =	sld [smem:$0x3F91];
	_ =	swait.ge [sflag:s4], $0x0  }
0x19: {  	s7 =	sld [smem:$0x3F92]  }
0x1a: {  	s8 =	sadd.s32 $0xFFFFE003, lr  }
0x1b: {  	s9 =	sadd.s32 $0xFFFFFEF7, lr;
	s5 =	simm.s32 $0xFFFFFFFF;
	p2 =	slt.u32 s8, $0xFFFFF086  }
0x1c: {  	p1 =	slt.u32 s9, $0xF7A;
	s5 =	simm.s32 @!p2 $0x0  }
0x1d: {  	s5 =	simm.s32 @p1 $0x1;
	p0 =	seq.s32 s7, s2  }
0x1e: {  	s7 =	smul.u32 @!p0 $0xF7A, s2;
	p2 =	seq.s32 @!p0 s5, $0x0  }
0x1f: {  	s9 =	smul.u32 $0xF7A, s1;
	s8 =	simm.s32 @!p0 $0x1BF5;
	p2 =	por !p2, p0  }
0x20: {  	[sflag:s8] =	ssyncset.s32 @!p0 $0xFFFFF086;
	s6 =	sadd.s32 @!p0 s3, s7;
	s7 =	simm.s32 @!p0 $0x108  }
0x21: {  	s3 =	sadd.s32 s3, s9;
	s6 =	sadd.s32 @!p0 $0x88, s6;
	s7 =	simm.s32 @p2 $0x1082  }
0x22: {  	[simem:s7], [sflag:s8] =	dma.local @!p0 [hbm:s6], $0xF7A  }
0x23: {  	s9 =	sor.u32 $0xD0000000, s2;
	s6 =	simm.s32 $0x108;
	_ =	swait.ge @!p0 [sflag:s8], $0x0  }
0x24: {  	s3 =	sadd.s32 $0x88, s3;
	s6 =	simm.s32 @!p1 $0x1082;
	[sflag:s4] =	ssyncset.s32 $0xFFFFF086  }
0x25: {  	[simem:s6], [sflag:s4] =	dma.local [hbm:s3], $0xF7A  }
0x26: {  	[smem:$0x3F92] =	sst s1;
	(tag) =	ssettag s2;
	_ =	strace s9  }
0x27: {  	s1 =	sld [smem:$0x3FA2]  }
0x28: {  	s2 =	sld [smem:$0x3FA3]  }
0x29: {  	s4 =	sld [smem:$0x3FA5]  }
0x2a: {  	p0 =	seq.s32 s5, $0x0;
	s5 =	sld [smem:$0x3FA6]  }
0x2b: {  	s6 =	sld [smem:$0x3FA7]  }
0x2c: {  	s7 =	sld [smem:$0x3FA8]  }
0x2d: {  	s3 =	simm.s32 $0x108;
	s8 =	sld [smem:$0x3FA9]  }
0x2e: {  	s3 =	simm.s32 @!p0 $0x1082;
	s9 =	sld [smem:$0x3FAA]  }
0x2f: {  	lr =	sadd.s32 s0, s3;
	s0 =	sld [smem:$0x3FA1]  }
0x30: {  	s3 =	sld [smem:$0x3FA4]  }
0x31: {  	[smem:$0x3FAD] =	sst s10  }
0x32: {  	s10 =	sld [smem:$0x3FAB];
	_ =	sdelay $0x3  }
0x33: {  	p0 =	seq.s32 s10, $0x1;
	s10 =	sld [smem:$0x3FAD];
	_ =	sdelay $0x3  }
0x34: {  	[smem:$0x3FAD] =	sst s10  }
0x35: {  	s10 =	sld [smem:$0x3FAC];
	_ =	sdelay $0x3  }
0x36: {  	p1 =	seq.s32 s10, $0x1;
	s10 =	sld [smem:$0x3FAD];
	_ =	sdelay $0x3  }
0x37: {  	[smem:$0x3FAD] =	sst s10  }
0x38: {  	s10 =	sld [smem:$0x3FAE]  }
0x39: {  	_ = 	snop;
	(pc) =	sbr.ind lr, $3  }
0x3a: {  	_ = 	snop  }
0x3b: {  	_ = 	snop  }
0x3c: {  	p2 =	seq.s32 s10, $0x1;
	s10 =	sld [smem:$0x3FAD]  }
0x3d: {  	_ =	shalt  }
0x3e: {  	_ =	shalt  }
0x3f: {  	_ =	shalt  }
0x40: {  	_ =	shalt  }
0x41: {  	_ =	shalt  }
0x42: {  	_ =	shalt  }
0x43: {  	_ =	shalt  }
0x44: {  	_ =	shalt  }
0x45: {  	_ =	shalt  }
0x46: {  	_ =	shalt  }
0x47: {  	_ =	shalt  }
0x48: {  	_ =	shalt  }
0x49: {  	_ =	shalt  }
0x4a: {  	_ =	shalt  }
0x4b: {  	_ =	shalt  }
0x4c: {  	_ =	shalt  }
0x4d: {  	_ =	shalt  }
0x4e: {  	_ =	shalt  }
0x4f: {  	_ =	shalt  }
0x50: {  	_ =	shalt  }
0x51: {  	_ =	shalt  }
0x52: {  	_ =	shalt  }
0x53: {  	_ =	shalt  }
0x54: {  	_ =	shalt  }
0x55: {  	_ =	shalt  }
0x56: {  	_ =	shalt  }
0x57: {  	_ =	shalt  }
0x58: {  	_ =	shalt  }
0x59: {  	_ =	shalt  }
0x5a: {  	_ =	shalt  }
0x5b: {  	_ =	shalt  }
0x5c: {  	_ =	shalt  }
0x5d: {  	_ =	shalt  }
0x5e: {  	_ =	shalt  }
0x5f: {  	_ =	shalt  }
0x60: {  	_ =	shalt  }
0x61: {  	_ =	shalt  }
0x62: {  	_ =	shalt  }
0x63: {  	_ =	shalt  }
0x64: {  	_ =	shalt  }
0x65: {  	_ =	shalt  }
0x66: {  	_ =	shalt  }
0x67: {  	_ =	shalt  }
0x68: {  	_ =	shalt  }
0x69: {  	_ =	shalt  }
0x6a: {  	_ =	shalt  }
0x6b: {  	_ =	shalt  }
0x6c: {  	_ =	shalt  }
0x6d: {  	_ =	shalt  }
0x6e: {  	_ =	shalt  }
0x6f: {  	_ =	shalt  }
0x70: {  	_ =	shalt  }
0x71: {  	_ =	shalt  }
0x72: {  	_ =	shalt  }
0x73: {  	_ =	shalt  }
0x74: {  	_ =	shalt  }
0x75: {  	_ =	shalt  }
0x76: {  	_ =	shalt  }
0x77: {  	_ =	shalt  }
0x78: {  	_ =	shalt  }
0x79: {  	_ =	shalt  }
0x7a: {  	_ =	shalt  }
0x7b: {  	_ =	shalt  }
0x7c: {  	_ =	shalt  }
0x7d: {  	_ =	shalt  }
0x7e: {  	_ =	shalt  }
0x7f: {  	_ =	shalt  }
0x80: {  	_ =	shalt  }
0x81: {  	_ =	shalt  }
0x82: {  	_ =	shalt  }
0x83: {  	_ =	shalt  }
0x84: {  	_ =	shalt  }
0x85: {  	_ =	shalt  }
0x86: {  	_ =	shalt  }
0x87: {  	_ =	shalt  }
.Lfunc_end0:
.L_simem_size_0:
called_computation.1_lowered:
.L_overlay_start_0:
0x88: {  	s2 =	sld [smem:$0x3FD9]  }
0x89: {  	s3 =	sld [smem:$0x3FFE];
	_ =	sdelay $0x1  }
0x8a: {  	s1 =	srdreg.scid  }
0x8b: {  	s0 =	sand.u32 $0x1, s1  }
0x8c: {  	s16 =	sshll.u32 s0, $0xA;
	s2 =	sadd.s32 s3, s2  }
0x8d: {  	s2 =	sadd.s32 s2, s16  }
0x8e: {  	[smem:$0x3FB9] =	sst s2  }
0x8f: {  	_ = 	snop  }
0x90: {  	(tm) =	ssettm $0x1  }
0x91: {  	s17 =	sld [smem:$0x3FFB];
	_ =	sdelay $0x3  }
0x92: {  	_ =	strace s17  }
0x93: {  	s2 =	sld [smem:$0x3FFC];
	_ =	sdelay $0x3  }
0x94: {  	_ =	strace s2  }
0x95: {  	s2 =	sld [smem:$0x3FFD];
	_ =	sdelay $0x3  }
0x96: {  	_ =	strace s2  }
0x97: {  	_ =	strace $0x8FFFFFFF  }
0x98: {  	s18 =	sld [smem:$0x3FDB];
	_ =	sdelay $0x1  }
0x99: {  	s19 =	simm.s32 $_scs_section_size  }
0x9a: {  	s4 =	simm.s32 $_size__tile_overlayer_lowered;
	s5 =	simm.s32 $_tile_overlayer_lowered  }
0x9b: {  	s22 =	simm.s32 $0x1BFF;
	s21 =	sshll.u32 s5, $0x1;
	s2 =	sadd.s32 s19, s18  }
0x9c: {  	s6 =	simm.s32 $0x0;
	s20 =	sshll.u32 s4, $0x1;
	s4 =	sadd.s32 s21, s2  }
0x9d: {  	[timem:s6], [sflag:s22] =	dma.local [hbm:s4], s20  }
0x9e: {  	_ =	swait.ge [sflag:s22], s20  }
0x9f: {  	s3 =	ssub.s32 $0x0, s20;
	[sflag:s22] =	ssyncset.done $0x0  }
0xa0: {  	[sflag:s22] =	ssyncadd.s32 s3;
	_ =	sdelay $0x1  }
0xa1: {  	s23 =	simm.s32 $0x1B8B  }
0xa2: {  	_ =	swait.ge [sflag:s23], $0x1  }
0xa3: {  	[sflag:s23] =	ssyncset.done $0x0  }
0xa4: {  	s25 =	simm.s32 $0x1B8E;
	s24 =	sld [smem:$0x3FFE];
	[sflag:s23] =	ssyncadd.s32 $0xFFFFFFFF  }
0xa5: {  	s26 =	simm.s32 $execute0_lowered;
	[smem:$0x3FD2] =	sst s25  }
0xa6: {  	s4 =	sshll.u32 s26, $0x1;
	_ =	strace $0x80000049;
	[dreg:$0x1] =	wrdreg $0xFFFFFFFF  }
0xa7: {  	s28 =	simm.s32 $_size_execute0_lowered;
	s2 =	sadd.s32 s2, s4;
	[dreg:$0x0] =	wrdreg $0x0  }
0xa8: {  	s4 =	sshll.u32 s28, $0x1;
	[dreg:$0x2] =	wrdreg s2  }
0xa9: {  	[dreg:$0x3] =	wrdreg s4  }
0xaa: {  	[dreg:$0x4] =	wrdreg $0xC0  }
0xab: {  	_ =	task [dreg:s6], $0x5FFFF  }
0xac: {  	[dreg:$0x1] =	wrdreg $0xFFFFFFFF  }
0xad: {  	[dreg:$0x0] =	wrdreg $0x60  }
0xae: {  	[dreg:$0x2] =	wrdreg s24  }
0xaf: {  	[dreg:$0x3] =	wrdreg $0x91000  }
0xb0: {  	[dreg:$0x4] =	wrdreg $0x9  }
0xb1: {  	_ =	task.clear_ibuf [dreg:s6], $0x5FFFF;
	_ =	strace $0x90000049  }
0xb2: {  	s29 =	simm.s32 $0x9;
	_ =	strace $0x8000004B  }
0xb3: {  	_ =	swait.ge [sflag:s29], $0x1  }
0xb4: {  	[sflag:s29] =	ssyncadd.s32 $0xFFFFFFFF  }
0xb5: {  	_ =	strace $0x9000004B  }
0xb6: {  	_ =	sfence  }
0xb7: {  	s30 =	sld [smem:$0x0];
	_ =	sdelay $0x2  }
0xb8: {  	s31 =	sshll.u32 s1, $0xD;
	s1 =	sshrl.u32 s1, $0x2  }
0xb9: {  	s3 =	sand.u32 $0x4000, s31;
	s1 =	sadd.s32 s1, s30  }
0xba: {  	s0 =	sor.u32 s3, s0;
	s1 =	sshll.u32 s1, $0x11  }
0xbb: {  	s0 =	sor.u32 s1, s0  }
0xbc: {  	s0 =	sadd.s32 $0x8F2B, s0  }
0xbd: {  	[sflag:s0] =	ssyncadd.remote.s32 $0x1  }
0xbe: {  	_ =	sfence.sel $0xFFFF  }
0xbf: {  	[dreg:$0x0] =	wrdreg $0xFFFFFFFF;
	(pc) =	sbr.abs _section_cstart, $3  }
0xc0: {  	[dreg:$0x1] =	wrdreg $0xFFFFFFFF  }
0xc1: {  	_ =	task.clear_ibuf [dreg:s6], $0x2FFFF;
	_ =	strace $0x9FFFFFFF  }
0xc2: {  	(tm) =	ssettm $0x7FFFFFFF  }
0xc3: {  	_ =	shalt  }
tec
execute0_lowered:
.L_overlay_start_1:
0x0: {  	(tag) =	ssettag $0x1  }
0x1: {  	s6 =	rddreg [dreg:$0x0]  }
0x2: {  	s1 =	rddreg [dreg:$0x1]  }
0x3: {  	s0 =	rddreg [dreg:$0x2];
	s2 =	simm.s32 $0x0  }
0x4: {  	s3 =	srdreg.scid;
	s16 =	simm.s32 $0x4100;
	s17 =	simm.s32 $0x2  }
0x5: {  	s18 =	simm.s32 $0x100;
	s19 =	simm.s32 $0x80;
	s7 =	sand.u32 $0x1, s3  }
0x6: {  	s20 =	simm.s32 $0x1;
	s21 =	simm.s32 $0x6900;
	s8 =	smul.u32 $0x4F00, s7  }
0x7: {  	s22 =	simm.s32 $0x400;
	s3 =	stileid.u32;
	s9 =	smul.u32 $0x140000, s7  }
0x8: {  	s23 =	simm.s32 $0x0;
	[smem:$0x7FF] =	sst s2;
	s10 =	smul.u32 $0x14000, s3  }
0x9: {  	s4 =	sshll.u32 s7, $0x4;
	_ =	strace $0x8000004A;
	s28 =	smul.u32 $0x50000, s3  }
0xa: {  	s12 =	sshll.u32 s3, $0x7;
	s7 =	ssub.s32 $0x2, s7;
	s31 =	smul.u32 $0x4F0, s3  }
0xb: {  	s5 =	sor.u32 s3, s4;
	s4 =	sadd.s32 $0x17A00, s6;
	s26 =	sand.u32 $0x380, s12  }
0xc: {  	s29 =	sshrl.u32 s7, $0x1;
	s11 =	sshrl.u32 s5, $0x3;
	s5 =	sadd.s32 $0x3FA00, s6  }
0xd: {  	s13 =	sadd.s32 s8, s6;
	s25 =	sadd.s32 s10, s9;
	s11 =	smul.u32 $0x14000, s11  }
0xe: {  	s10 =	sshrl.u32 s28, $0x2;
	s30 =	ssub.s32 s7, s29;
	s8 =	sshrl.u32 s25, $0x3  }
0xf: {  	s15 =	sadd.s32 s31, s13;
	s8 =	sadd.s32 s8, s6;
	s9 =	sor.u32 s26, s11  }
0x10: {  	s14 =	sadd.s32 $0xDC00, s15;
	s15 =	sadd.s32 $0x3E00, s15;
	s9 =	sshrl.u32 s9, $0x3  }
0x11: {  	s7 =	sadd.s32 $0x40000, s8;
	s9 =	sadd.s32 s9, s6;
	s6 =	sadd.s32 s10, s1  }
0x12: {  	s8 =	sadd.s32 $0x90000, s9;
	s9 =	smax.u32 s30, $0x1;
	s10 =	sadd.s32 $0x4000, s6  }
0x13: {  	v0 =	vimm.f32 $0.0e+00;
	s11 =	sadd.s32 $0x8000, s6;
	s12 =	sadd.s32 $0xC000, s6;
	s13 =	sadd.s32 $0x10000, s6  }
.LBB2_1:
0x14: {  	[tilespmem:s16], [sflag:$0x2] =	stream.linear.gather [hbm4b:s5+s2], $0x2800, $0x38;
	[tilespmem:$0x1D100] =	vst v63  }
0x15: {  	_ =	swait.ge [sflag:s17], $0x2800  }
0x16: {  	[sflag:s17] =	ssyncset.done $0x0  }
0x17: {  	s24 =	simm.s32 $0x0;
	[sflag:s17] =	ssyncadd.s32 $0xFFFFD800  }
.LBB2_2:
0x18: {  	p0 =	sne.s32 s24, $0x9FC0  }
.Ltmp0:
0x19: {  	_ = 	snop;
	(pc) =	sbr.rel @p0 .LBB2_2-.Ltmp0, $3  }
0x1a: {  	_ =	sdelay $0x1  }
0x1b: {  	s25 =	sshra.s32 s24, $0x2  }
0x1c: {  	s24 =	sadd.s32 $0x40, s24;
	[tilespmem:s25+$0x6900] =	vst v0  }
0x1d: {  	s24 =	simm.s32 $0x0;
	s25 =	simm.s32 $0x200  }
.LBB2_4:
0x1e: {  	p0 =	sne.s32 s25, $0xFE00;
	[tilespmem:s24+$0x170] =	vst v0  }
0x1f: {  	[tilespmem:s24+$0x100] =	vst v0  }
0x20: {  	[tilespmem:s24+$0x110] =	vst v0  }
.Ltmp1:
0x21: {  	[tilespmem:s24+$0x120] =	vst v0;
	(pc) =	sbr.rel @p0 .LBB2_4-.Ltmp1, $4  }
0x22: {  	[tilespmem:s24+$0x130] =	vst v0  }
0x23: {  	[tilespmem:s24+$0x140] =	vst v0  }
0x24: {  	[tilespmem:s24+$0x150] =	vst v0  }
0x25: {  	[tilespmem:s24+$0x160] =	vst v0;
	s24 =	sshra.s32 s25, $0x2;
	s25 =	sadd.s32 $0x200, s25  }
0x26: {  	[tilespmem:s24+$0x170] =	vst v0  }
0x27: {  	[tilespmem:s24+$0x100] =	vst v0  }
0x28: {  	[tilespmem:s24+$0x110] =	vst v0  }
0x29: {  	[tilespmem:s24+$0x120] =	vst v0  }
0x2a: {  	[tilespmem:s24+$0x130] =	vst v0  }
0x2b: {  	[tilespmem:s24+$0x140] =	vst v0  }
0x2c: {  	[tilespmem:s24+$0x150] =	vst v0  }
0x2d: {  	[tilespmem:s24+$0x160] =	vst v0  }
0x2e: {  	[spmem:s6] =	stream.linear.scatter [tilespmem:s18], [sflag:$0x2], $0x4000, $0x38;
	[tilespmem:$0x1D100] =	vst v63  }
0x2f: {  	_ =	swait.ge [sflag:s17], $0x4000  }
0x30: {  	[sflag:s17] =	ssyncset.done $0x0  }
0x31: {  	[sflag:s17] =	ssyncadd.s32 $0xFFFFC000  }
0x32: {  	[spmem:s10] =	stream.linear.scatter [tilespmem:s18], [sflag:$0x2], $0x4000, $0x38;
	[tilespmem:$0x1D100] =	vst v63  }
0x33: {  	_ =	swait.ge [sflag:s17], $0x4000  }
0x34: {  	[sflag:s17] =	ssyncset.done $0x0  }
0x35: {  	[sflag:s17] =	ssyncadd.s32 $0xFFFFC000  }
0x36: {  	[spmem:s11] =	stream.linear.scatter [tilespmem:s18], [sflag:$0x2], $0x4000, $0x38;
	[tilespmem:$0x1D100] =	vst v63  }
0x37: {  	_ =	swait.ge [sflag:s17], $0x4000  }
0x38: {  	[sflag:s17] =	ssyncset.done $0x0  }
0x39: {  	[sflag:s17] =	ssyncadd.s32 $0xFFFFC000  }
0x3a: {  	[spmem:s12] =	stream.linear.scatter [tilespmem:s18], [sflag:$0x2], $0x4000, $0x38;
	[tilespmem:$0x1D100] =	vst v63  }
0x3b: {  	_ =	swait.ge [sflag:s17], $0x4000  }
0x3c: {  	[sflag:s17] =	ssyncset.done $0x0  }
0x3d: {  	[sflag:s17] =	ssyncadd.s32 $0xFFFFC000  }
0x3e: {  	[spmem:s13] =	stream.linear.scatter [tilespmem:s18], [sflag:$0x2], $0x4000, $0x38;
	[tilespmem:$0x1D100] =	vst v63  }
0x3f: {  	_ =	swait.ge [sflag:s17], $0x4000  }
0x40: {  	[sflag:s17] =	ssyncset.done $0x0  }
0x41: {  	[sflag:s17] =	ssyncadd.s32 $0xFFFFC000  }
0x42: {  	s24 =	simm.s32 $0x0;
	[bflag:$0x0] =	sbarrier.arrive $0xFFFF  }
.LBB2_6:
0x43: {  	s25 =	sadd.s32 s24, s15  }
0x44: {  	[tilespmem:s2], [sflag:$0x2] =	stream.linear.gather [hbm4b:s25+s2], $0x80, $0x38;
	[tilespmem:$0x1D100] =	vst v63  }
0x45: {  	_ =	swait.ge [sflag:s17], $0x80  }
0x46: {  	[sflag:s17] =	ssyncset.done $0x0  }
0x47: {  	s31 =	sadd.s32 s24, s14;
	[sflag:s17] =	ssyncadd.s32 $0xFFFFFF80  }
0x48: {  	[tilespmem:s19], [sflag:$0x2] =	stream.linear.gather [hbm4b:s31+s2], $0x80, $0x38;
	[tilespmem:$0x1D100] =	vst v63  }
0x49: {  	_ =	swait.ge [sflag:s17], $0x80  }
0x4a: {  	[sflag:s17] =	ssyncset.done $0x0  }
0x4b: {  	[sflag:s17] =	ssyncadd.s32 $0xFFFFFF80  }
0x4c: {  	[tilespmem:s18], [sflag:$0x1] =	stream.indirect.gather [hbm4b:s4+s19], $0x80, s2, s19, $0xb8;
	[tilespmem:$0x1D100] =	vst v63  }
0x4d: {  	_ =	swait.ge [sflag:s20], $0x4000  }
0x4e: {  	[sflag:s20] =	ssyncset.done $0x0  }
0x4f: {  	[sflag:s20] =	ssyncadd.s32 $0xFFFFC000  }
0x50: {  	[spmem:s1] =	stream.indirect.scatter.add.f32 [tilespmem:s18], [sflag:$0x2], $0x80, s19, s19, $0xb8;
	[tilespmem:$0x1D100] =	vst v63  }
0x51: {  	_ =	swait.ge [sflag:s17], $0x4000  }
0x52: {  	[sflag:s17] =	ssyncset.done $0x0  }
0x53: {  	[sflag:s17] =	ssyncadd.s32 $0xFFFFC000  }
0x54: {  	v1 =	vld [tilespmem:$0x0];
	_ =	sdelay $0x4  }
0x55: {  	v2 =	vld [tilespmem:$0x80];
	_ =	sdelay $0x2  }
0x56: {  	v1 =	vld.idx.msk [tilespmem:v1+s16+$0x0], $0xffff;
	_ =	sdelay $0x4  }
0x57: {  	[tilespmem:v2+s21+$0x0] =	vst.idx.add.f32.msk $0xffff, v1  }
0x58: {  	v1 =	vld [tilespmem:$0x10];
	_ =	sdelay $0x4  }
0x59: {  	v2 =	vld [tilespmem:$0x90];
	_ =	sdelay $0x2  }
0x5a: {  	v1 =	vld.idx.msk [tilespmem:v1+s16+$0x0], $0xffff;
	_ =	sdelay $0x4  }
0x5b: {  	[tilespmem:v2+s21+$0x0] =	vst.idx.add.f32.msk $0xffff, v1  }
0x5c: {  	v1 =	vld [tilespmem:$0x20];
	_ =	sdelay $0x4  }
0x5d: {  	v2 =	vld [tilespmem:$0xA0];
	_ =	sdelay $0x2  }
0x5e: {  	v1 =	vld.idx.msk [tilespmem:v1+s16+$0x0], $0xffff;
	_ =	sdelay $0x4  }
0x5f: {  	[tilespmem:v2+s21+$0x0] =	vst.idx.add.f32.msk $0xffff, v1  }
0x60: {  	v1 =	vld [tilespmem:$0x30];
	_ =	sdelay $0x4  }
0x61: {  	v2 =	vld [tilespmem:$0xB0];
	_ =	sdelay $0x2  }
0x62: {  	v1 =	vld.idx.msk [tilespmem:v1+s16+$0x0], $0xffff;
	_ =	sdelay $0x4  }
0x63: {  	[tilespmem:v2+s21+$0x0] =	vst.idx.add.f32.msk $0xffff, v1  }
0x64: {  	v1 =	vld [tilespmem:$0x40];
	_ =	sdelay $0x4  }
0x65: {  	v2 =	vld [tilespmem:$0xC0];
	_ =	sdelay $0x2  }
0x66: {  	v1 =	vld.idx.msk [tilespmem:v1+s16+$0x0], $0xffff;
	_ =	sdelay $0x4  }
0x67: {  	[tilespmem:v2+s21+$0x0] =	vst.idx.add.f32.msk $0xffff, v1  }
0x68: {  	v1 =	vld [tilespmem:$0x50];
	_ =	sdelay $0x4  }
0x69: {  	v2 =	vld [tilespmem:$0xD0];
	_ =	sdelay $0x2  }
0x6a: {  	v1 =	vld.idx.msk [tilespmem:v1+s16+$0x0], $0xffff;
	_ =	sdelay $0x4  }
0x6b: {  	[tilespmem:v2+s21+$0x0] =	vst.idx.add.f32.msk $0xffff, v1  }
0x6c: {  	v1 =	vld [tilespmem:$0x60];
	_ =	sdelay $0x4  }
0x6d: {  	v2 =	vld [tilespmem:$0xE0];
	_ =	sdelay $0x2  }
0x6e: {  	v1 =	vld.idx.msk [tilespmem:v1+s16+$0x0], $0xffff;
	_ =	sdelay $0x4  }
0x6f: {  	[tilespmem:v2+s21+$0x0] =	vst.idx.add.f32.msk $0xffff, v1  }
0x70: {  	v1 =	vld [tilespmem:$0x70];
	_ =	sdelay $0x4  }
0x71: {  	v2 =	vld [tilespmem:$0xF0];
	_ =	sdelay $0x2  }
0x72: {  	p0 =	sne.s32 s24, $0x4E0;
	v1 =	vld.idx.msk [tilespmem:v1+s16+$0x0], $0xffff  }
.Ltmp2:
0x73: {  	_ = 	snop;
	(pc) =	sbr.rel @p0 .LBB2_6-.Ltmp2, $2  }
0x74: {  	_ =	sdelay $0x2  }
0x75: {  	s24 =	sadd.s32 $0x10, s24;
	[tilespmem:v2+s21+$0x0] =	vst.idx.add.f32.msk $0xffff, v1  }
0x76: {  	s24 =	sshll.u32 s3, $0x6  }
0x77: {  	[bflag:$0x0] =	sbarrier.arrive $0xFFFF;
	s25 =	sshrl.u32 s6, $0x3;
	s24 =	sor.u32 $0x1C02, s24  }
0x78: {  	[hbm:s7], [sflag:s24] =	dma.local [spmem:s25], $0x2800  }
0x79: {  	s23 =	sadd.s32 $0x1, s23;
	_ =	swait.ge [sflag:s17], $0x2800  }
0x7a: {  	p0 =	sne.s32 s23, s9;
	[sflag:s17] =	ssyncset.done $0x0  }
.Ltmp3:
0x7b: {  	[sflag:s17] =	ssyncadd.s32 $0xFFFFD800;
	(pc) =	sbr.rel @p0 .LBB2_1-.Ltmp3, $4  }
0x7c: {  	[hbm4b:s8+s19] =	stream.strided.scatter [tilespmem:s21], [sflag:$0x2], $0x2800, s22, s19, $0x38;
	[tilespmem:$0x1D100] =	vst v63  }
0x7d: {  	_ =	swait.ge [sflag:s17], $0x2800  }
0x7e: {  	[sflag:s17] =	ssyncset.done $0x0  }
0x7f: {  	[sflag:s17] =	ssyncadd.s32 $0xFFFFD800  }
0x80: {  	_ =	sfence.sel $0x180000  }
0x81: {  	[bflag:$0x0] =	sbarrier.arrive $0xFFFF  }
0x82: {  	p0 =	sne.s32 s3, $0x0;
	_ =	strace $0x9000004A  }
0x83: {  	s0 =	sadd.s32 @!p0 $0x100000, s0;
	[bflag:$0x2] =	sbarrier.arrive $0xFFFF  }
0x84: {  	[sflag:s0] =	ssyncadd.tile.s32 @!p0 $0x1;
	_ =	shalt  }
.Lfunc_end2:
_tile_overlayer_lowered:
.L_overlay_start_2:
0x85: {  	(tag) =	ssettag $0x2  }
0x86: {  	s0 =	rddreg [dreg:$0x0];
	s2 =	stileid.u32  }
0x87: {  	s1 =	rddreg [dreg:$0x1];
	p0 =	sne.s32 s2, $0x0  }
0x88: {  	s3 =	rddreg [dreg:$0x2];
	[bflag:$0x3] =	sbarrier.arrive $0xFFFF;
	s2 =	simm.s32 @!p0 $0x1C02  }
0x89: {  	[timem:s3], [sflag:s2] =	dma.local @!p0 [hbm:s0], s1  }
0x8a: {  	s0 =	simm.s32 @!p0 $0x2  }
0x8b: {  	_ =	swait.ge @!p0 [sflag:s0], s1  }
0x8c: {  	s1 =	ssub.s32 @!p0 $0x0, s1;
	[sflag:s0] =	ssyncset.done @!p0 $0x0  }
0x8d: {  	[sflag:s0] =	ssyncadd.s32 @!p0 s1  }
0x8e: {  	[bflag:$0x3] =	sbarrier.arrive $0xFFFF  }
0x8f: {  	_ =	shalt  }

// kernel: kernel.8.cloned.1.call-start
scs
__scs_entry_jumppad:
0x0: {  	(pc) =	sbr.rel $0x88, $3  }
0x1: {  	(tag) =	ssettag $0x0;
	lr =	simm.s32 $0x1  }
0x2: {  	[smem:$0x3F92] =	sst lr;
	_ =	strace $0xD0000000  }
0x3: {  	_ = 	snop  }
0x4: {  	_ = 	snop  }
0x5: {  	_ = 	snop  }
0x6: {  	_ = 	snop  }
0x7: {  	_ = 	snop  }
__scs_overlays_trampoline_lowered:
0x8: {  	[smem:$0x3FA1] =	sst s0  }
0x9: {  	[smem:$0x3FA2] =	sst s1  }
0xa: {  	[smem:$0x3FA3] =	sst s2  }
0xb: {  	[smem:$0x3FA4] =	sst s3  }
0xc: {  	[smem:$0x3FA5] =	sst s4  }
0xd: {  	[smem:$0x3FA6] =	sst s5  }
0xe: {  	[smem:$0x3FA7] =	sst s6  }
0xf: {  	[smem:$0x3FA8] =	sst s7  }
0x10: {  	[smem:$0x3FA9] =	sst s8  }
0x11: {  	[smem:$0x3FAA] =	sst s9;
	s0 =	simm.s32 @!p0 $0x0  }
0x12: {  	s1 =	sld [smem:$0x3F90];
	s0 =	simm.s32 @p0 $0x1  }
0x13: {  	[smem:$0x3FAB] =	sst s0;
	s0 =	simm.s32 @!p1 $0x0  }
0x14: {  	s2 =	sld [smem:$0x3F8F];
	s0 =	simm.s32 @p1 $0x1  }
0x15: {  	[smem:$0x3FAC] =	sst s0;
	s0 =	simm.s32 @!p2 $0x0  }
0x16: {  	s3 =	sld [smem:$0x3FDB];
	s0 =	simm.s32 @p2 $0x1  }
0x17: {  	s4 =	simm.s32 $0x1BF5;
	[smem:$0x3FAE] =	sst s0  }
0x18: {  	s0 =	sld [smem:$0x3F91];
	_ =	swait.ge [sflag:s4], $0x0  }
0x19: {  	s7 =	sld [smem:$0x3F92]  }
0x1a: {  	s8 =	sadd.s32 $0xFFFFE003, lr  }
0x1b: {  	s9 =	sadd.s32 $0xFFFFFEF7, lr;
	s5 =	simm.s32 $0xFFFFFFFF;
	p2 =	slt.u32 s8, $0xFFFFF086  }
0x1c: {  	p1 =	slt.u32 s9, $0xF7A;
	s5 =	simm.s32 @!p2 $0x0  }
0x1d: {  	s5 =	simm.s32 @p1 $0x1;
	p0 =	seq.s32 s7, s2  }
0x1e: {  	s7 =	smul.u32 @!p0 $0xF7A, s2;
	p2 =	seq.s32 @!p0 s5, $0x0  }
0x1f: {  	s9 =	smul.u32 $0xF7A, s1;
	s8 =	simm.s32 @!p0 $0x1BF5;
	p2 =	por !p2, p0  }
0x20: {  	[sflag:s8] =	ssyncset.s32 @!p0 $0xFFFFF086;
	s6 =	sadd.s32 @!p0 s3, s7;
	s7 =	simm.s32 @!p0 $0x108  }
0x21: {  	s3 =	sadd.s32 s3, s9;
	s6 =	sadd.s32 @!p0 $0x88, s6;
	s7 =	simm.s32 @p2 $0x1082  }
0x22: {  	[simem:s7], [sflag:s8] =	dma.local @!p0 [hbm:s6], $0xF7A  }
0x23: {  	s9 =	sor.u32 $0xD0000000, s2;
	s6 =	simm.s32 $0x108;
	_ =	swait.ge @!p0 [sflag:s8], $0x0  }
0x24: {  	s3 =	sadd.s32 $0x88, s3;
	s6 =	simm.s32 @!p1 $0x1082;
	[sflag:s4] =	ssyncset.s32 $0xFFFFF086  }
0x25: {  	[simem:s6], [sflag:s4] =	dma.local [hbm:s3], $0xF7A  }
0x26: {  	[smem:$0x3F92] =	sst s1;
	(tag) =	ssettag s2;
	_ =	strace s9  }
0x27: {  	s1 =	sld [smem:$0x3FA2]  }
0x28: {  	s2 =	sld [smem:$0x3FA3]  }
0x29: {  	s4 =	sld [smem:$0x3FA5]  }
0x2a: {  	p0 =	seq.s32 s5, $0x0;
	s5 =	sld [smem:$0x3FA6]  }
0x2b: {  	s6 =	sld [smem:$0x3FA7]  }
0x2c: {  	s7 =	sld [smem:$0x3FA8]  }
0x2d: {  	s3 =	simm.s32 $0x108;
	s8 =	sld [smem:$0x3FA9]  }
0x2e: {  	s3 =	simm.s32 @!p0 $0x1082;
	s9 =	sld [smem:$0x3FAA]  }
0x2f: {  	lr =	sadd.s32 s0, s3;
	s0 =	sld [smem:$0x3FA1]  }
0x30: {  	s3 =	sld [smem:$0x3FA4]  }
0x31: {  	[smem:$0x3FAD] =	sst s10  }
0x32: {  	s10 =	sld [smem:$0x3FAB];
	_ =	sdelay $0x3  }
0x33: {  	p0 =	seq.s32 s10, $0x1;
	s10 =	sld [smem:$0x3FAD];
	_ =	sdelay $0x3  }
0x34: {  	[smem:$0x3FAD] =	sst s10  }
0x35: {  	s10 =	sld [smem:$0x3FAC];
	_ =	sdelay $0x3  }
0x36: {  	p1 =	seq.s32 s10, $0x1;
	s10 =	sld [smem:$0x3FAD];
	_ =	sdelay $0x3  }
0x37: {  	[smem:$0x3FAD] =	sst s10  }
0x38: {  	s10 =	sld [smem:$0x3FAE]  }
0x39: {  	_ = 	snop;
	(pc) =	sbr.ind lr, $3  }
0x3a: {  	_ = 	snop  }
0x3b: {  	_ = 	snop  }
0x3c: {  	p2 =	seq.s32 s10, $0x1;
	s10 =	sld [smem:$0x3FAD]  }
0x3d: {  	_ =	shalt  }
0x3e: {  	_ =	shalt  }
0x3f: {  	_ =	shalt  }
0x40: {  	_ =	shalt  }
0x41: {  	_ =	shalt  }
0x42: {  	_ =	shalt  }
0x43: {  	_ =	shalt  }
0x44: {  	_ =	shalt  }
0x45: {  	_ =	shalt  }
0x46: {  	_ =	shalt  }
0x47: {  	_ =	shalt  }
0x48: {  	_ =	shalt  }
0x49: {  	_ =	shalt  }
0x4a: {  	_ =	shalt  }
0x4b: {  	_ =	shalt  }
0x4c: {  	_ =	shalt  }
0x4d: {  	_ =	shalt  }
0x4e: {  	_ =	shalt  }
0x4f: {  	_ =	shalt  }
0x50: {  	_ =	shalt  }
0x51: {  	_ =	shalt  }
0x52: {  	_ =	shalt  }
0x53: {  	_ =	shalt  }
0x54: {  	_ =	shalt  }
0x55: {  	_ =	shalt  }
0x56: {  	_ =	shalt  }
0x57: {  	_ =	shalt  }
0x58: {  	_ =	shalt  }
0x59: {  	_ =	shalt  }
0x5a: {  	_ =	shalt  }
0x5b: {  	_ =	shalt  }
0x5c: {  	_ =	shalt  }
0x5d: {  	_ =	shalt  }
0x5e: {  	_ =	shalt  }
0x5f: {  	_ =	shalt  }
0x60: {  	_ =	shalt  }
0x61: {  	_ =	shalt  }
0x62: {  	_ =	shalt  }
0x63: {  	_ =	shalt  }
0x64: {  	_ =	shalt  }
0x65: {  	_ =	shalt  }
0x66: {  	_ =	shalt  }
0x67: {  	_ =	shalt  }
0x68: {  	_ =	shalt  }
0x69: {  	_ =	shalt  }
0x6a: {  	_ =	shalt  }
0x6b: {  	_ =	shalt  }
0x6c: {  	_ =	shalt  }
0x6d: {  	_ =	shalt  }
0x6e: {  	_ =	shalt  }
0x6f: {  	_ =	shalt  }
0x70: {  	_ =	shalt  }
0x71: {  	_ =	shalt  }
0x72: {  	_ =	shalt  }
0x73: {  	_ =	shalt  }
0x74: {  	_ =	shalt  }
0x75: {  	_ =	shalt  }
0x76: {  	_ =	shalt  }
0x77: {  	_ =	shalt  }
0x78: {  	_ =	shalt  }
0x79: {  	_ =	shalt  }
0x7a: {  	_ =	shalt  }
0x7b: {  	_ =	shalt  }
0x7c: {  	_ =	shalt  }
0x7d: {  	_ =	shalt  }
0x7e: {  	_ =	shalt  }
0x7f: {  	_ =	shalt  }
0x80: {  	_ =	shalt  }
0x81: {  	_ =	shalt  }
0x82: {  	_ =	shalt  }
0x83: {  	_ =	shalt  }
0x84: {  	_ =	shalt  }
0x85: {  	_ =	shalt  }
0x86: {  	_ =	shalt  }
0x87: {  	_ =	shalt  }
.Lfunc_end0:
.L_simem_size_0:
called_computation_lowered:
.L_overlay_start_0:
0x88: {  	s2 =	sld [smem:$0x3FD9]  }
0x89: {  	s3 =	sld [smem:$0x3FFE];
	_ =	sdelay $0x1  }
0x8a: {  	s1 =	srdreg.scid  }
0x8b: {  	s0 =	sand.u32 $0x1, s1  }
0x8c: {  	s16 =	sshll.u32 s0, $0xA;
	s2 =	sadd.s32 s3, s2  }
0x8d: {  	s2 =	sadd.s32 s2, s16  }
0x8e: {  	[smem:$0x3FB9] =	sst s2  }
0x8f: {  	_ = 	snop  }
0x90: {  	(tm) =	ssettm $0x1  }
0x91: {  	s17 =	sld [smem:$0x3FFB];
	_ =	sdelay $0x3  }
0x92: {  	_ =	strace s17  }
0x93: {  	s2 =	sld [smem:$0x3FFC];
	_ =	sdelay $0x3  }
0x94: {  	_ =	strace s2  }
0x95: {  	s2 =	sld [smem:$0x3FFD];
	_ =	sdelay $0x3  }
0x96: {  	_ =	strace s2  }
0x97: {  	_ =	strace $0x8FFFFFFF  }
0x98: {  	s18 =	sld [smem:$0x3FDB];
	_ =	sdelay $0x1  }
0x99: {  	s19 =	simm.s32 $_scs_section_size  }
0x9a: {  	s4 =	simm.s32 $_size__tile_overlayer_lowered;
	s5 =	simm.s32 $_tile_overlayer_lowered  }
0x9b: {  	s22 =	simm.s32 $0x1BFF;
	s21 =	sshll.u32 s5, $0x1;
	s2 =	sadd.s32 s19, s18  }
0x9c: {  	s6 =	simm.s32 $0x0;
	s20 =	sshll.u32 s4, $0x1;
	s4 =	sadd.s32 s21, s2  }
0x9d: {  	[timem:s6], [sflag:s22] =	dma.local [hbm:s4], s20  }
0x9e: {  	_ =	swait.ge [sflag:s22], s20  }
0x9f: {  	s3 =	ssub.s32 $0x0, s20;
	[sflag:s22] =	ssyncset.done $0x0  }
0xa0: {  	[sflag:s22] =	ssyncadd.s32 s3;
	_ =	sdelay $0x1  }
0xa1: {  	s23 =	simm.s32 $0x1B8B  }
0xa2: {  	_ =	swait.ge [sflag:s23], $0x1  }
0xa3: {  	[sflag:s23] =	ssyncset.done $0x0  }
0xa4: {  	s25 =	simm.s32 $0x1B8E;
	s24 =	sld [smem:$0x3FFE];
	[sflag:s23] =	ssyncadd.s32 $0xFFFFFFFF  }
0xa5: {  	s26 =	simm.s32 $execute0_lowered;
	[smem:$0x3FD2] =	sst s25  }
0xa6: {  	s4 =	sshll.u32 s26, $0x1;
	_ =	strace $0x80000046;
	[dreg:$0x1] =	wrdreg $0xFFFFFFFF  }
0xa7: {  	s28 =	simm.s32 $_size_execute0_lowered;
	s2 =	sadd.s32 s2, s4;
	[dreg:$0x0] =	wrdreg $0x0  }
0xa8: {  	s4 =	sshll.u32 s28, $0x1;
	[dreg:$0x2] =	wrdreg s2  }
0xa9: {  	[dreg:$0x3] =	wrdreg s4  }
0xaa: {  	[dreg:$0x4] =	wrdreg $0xC0  }
0xab: {  	_ =	task [dreg:s6], $0x5FFFF  }
0xac: {  	[dreg:$0x1] =	wrdreg $0xFFFFFFFF  }
0xad: {  	[dreg:$0x0] =	wrdreg $0x60  }
0xae: {  	[dreg:$0x2] =	wrdreg s24  }
0xaf: {  	[dreg:$0x3] =	wrdreg $0x91000  }
0xb0: {  	[dreg:$0x4] =	wrdreg $0x9  }
0xb1: {  	_ =	task.clear_ibuf [dreg:s6], $0x5FFFF;
	_ =	strace $0x90000046  }
0xb2: {  	s29 =	simm.s32 $0x9;
	_ =	strace $0x80000048  }
0xb3: {  	_ =	swait.ge [sflag:s29], $0x1  }
0xb4: {  	[sflag:s29] =	ssyncadd.s32 $0xFFFFFFFF  }
0xb5: {  	_ =	strace $0x90000048  }
0xb6: {  	_ =	sfence  }
0xb7: {  	s30 =	sld [smem:$0x0];
	_ =	sdelay $0x2  }
0xb8: {  	s31 =	sshll.u32 s1, $0xD;
	s1 =	sshrl.u32 s1, $0x2  }
0xb9: {  	s3 =	sand.u32 $0x4000, s31;
	s1 =	sadd.s32 s1, s30  }
0xba: {  	s0 =	sor.u32 s3, s0;
	s1 =	sshll.u32 s1, $0x11  }
0xbb: {  	s0 =	sor.u32 s1, s0  }
0xbc: {  	s0 =	sadd.s32 $0x8F2B, s0  }
0xbd: {  	[sflag:s0] =	ssyncadd.remote.s32 $0x1  }
0xbe: {  	_ =	sfence.sel $0xFFFF  }
0xbf: {  	[dreg:$0x0] =	wrdreg $0xFFFFFFFF;
	(pc) =	sbr.abs _section_cstart, $3  }
0xc0: {  	[dreg:$0x1] =	wrdreg $0xFFFFFFFF  }
0xc1: {  	_ =	task.clear_ibuf [dreg:s6], $0x2FFFF;
	_ =	strace $0x9FFFFFFF  }
0xc2: {  	(tm) =	ssettm $0x7FFFFFFF  }
0xc3: {  	_ =	shalt  }
tec
execute0_lowered:
.L_overlay_start_1:
0x0: {  	(tag) =	ssettag $0x1  }
0x1: {  	s6 =	rddreg [dreg:$0x0]  }
0x2: {  	s1 =	rddreg [dreg:$0x1]  }
0x3: {  	s0 =	rddreg [dreg:$0x2];
	s2 =	simm.s32 $0x0  }
0x4: {  	s3 =	srdreg.scid;
	s16 =	simm.s32 $0x4100;
	s17 =	simm.s32 $0x2  }
0x5: {  	s18 =	simm.s32 $0x100;
	s19 =	simm.s32 $0x80;
	s7 =	sand.u32 $0x1, s3  }
0x6: {  	s20 =	simm.s32 $0x1;
	s21 =	simm.s32 $0x6900;
	s8 =	smul.u32 $0x4F00, s7  }
0x7: {  	s22 =	simm.s32 $0x400;
	s3 =	stileid.u32;
	s9 =	smul.u32 $0x140000, s7  }
0x8: {  	s23 =	simm.s32 $0x0;
	[smem:$0x7FF] =	sst s2;
	s10 =	smul.u32 $0x14000, s3  }
0x9: {  	s4 =	sshll.u32 s7, $0x4;
	_ =	strace $0x80000047;
	s28 =	smul.u32 $0x50000, s3  }
0xa: {  	s12 =	sshll.u32 s3, $0x7;
	s7 =	ssub.s32 $0x2, s7;
	s31 =	smul.u32 $0x4F0, s3  }
0xb: {  	s5 =	sor.u32 s3, s4;
	s4 =	sadd.s32 $0x17A00, s6;
	s26 =	sand.u32 $0x380, s12  }
0xc: {  	s29 =	sshrl.u32 s7, $0x1;
	s11 =	sshrl.u32 s5, $0x3;
	s5 =	sadd.s32 $0x3FA00, s6  }
0xd: {  	s13 =	sadd.s32 s8, s6;
	s25 =	sadd.s32 s10, s9;
	s11 =	smul.u32 $0x14000, s11  }
0xe: {  	s10 =	sshrl.u32 s28, $0x2;
	s30 =	ssub.s32 s7, s29;
	s8 =	sshrl.u32 s25, $0x3  }
0xf: {  	s15 =	sadd.s32 s31, s13;
	s8 =	sadd.s32 s8, s6;
	s9 =	sor.u32 s26, s11  }
0x10: {  	s14 =	sadd.s32 $0xDC00, s15;
	s15 =	sadd.s32 $0x3E00, s15;
	s9 =	sshrl.u32 s9, $0x3  }
0x11: {  	s7 =	sadd.s32 $0x40000, s8;
	s9 =	sadd.s32 s9, s6;
	s6 =	sadd.s32 s10, s1  }
0x12: {  	s8 =	sadd.s32 $0x90000, s9;
	s9 =	smax.u32 s30, $0x1;
	s10 =	sadd.s32 $0x4000, s6  }
0x13: {  	v0 =	vimm.f32 $0.0e+00;
	s11 =	sadd.s32 $0x8000, s6;
	s12 =	sadd.s32 $0xC000, s6;
	s13 =	sadd.s32 $0x10000, s6  }
.LBB2_1:
0x14: {  	[tilespmem:s16], [sflag:$0x2] =	stream.linear.gather [hbm4b:s5+s2], $0x2800, $0x38;
	[tilespmem:$0x1D100] =	vst v63  }
0x15: {  	_ =	swait.ge [sflag:s17], $0x2800  }
0x16: {  	[sflag:s17] =	ssyncset.done $0x0  }
0x17: {  	s24 =	simm.s32 $0x0;
	[sflag:s17] =	ssyncadd.s32 $0xFFFFD800  }
.LBB2_2:
0x18: {  	p0 =	sne.s32 s24, $0x9FC0  }
.Ltmp0:
0x19: {  	_ = 	snop;
	(pc) =	sbr.rel @p0 .LBB2_2-.Ltmp0, $3  }
0x1a: {  	_ =	sdelay $0x1  }
0x1b: {  	s25 =	sshra.s32 s24, $0x2  }
0x1c: {  	s24 =	sadd.s32 $0x40, s24;
	[tilespmem:s25+$0x6900] =	vst v0  }
0x1d: {  	s24 =	simm.s32 $0x0;
	s25 =	simm.s32 $0x200  }
.LBB2_4:
0x1e: {  	p0 =	sne.s32 s25, $0xFE00;
	[tilespmem:s24+$0x170] =	vst v0  }
0x1f: {  	[tilespmem:s24+$0x100] =	vst v0  }
0x20: {  	[tilespmem:s24+$0x110] =	vst v0  }
.Ltmp1:
0x21: {  	[tilespmem:s24+$0x120] =	vst v0;
	(pc) =	sbr.rel @p0 .LBB2_4-.Ltmp1, $4  }
0x22: {  	[tilespmem:s24+$0x130] =	vst v0  }
0x23: {  	[tilespmem:s24+$0x140] =	vst v0  }
0x24: {  	[tilespmem:s24+$0x150] =	vst v0  }
0x25: {  	[tilespmem:s24+$0x160] =	vst v0;
	s24 =	sshra.s32 s25, $0x2;
	s25 =	sadd.s32 $0x200, s25  }
0x26: {  	[tilespmem:s24+$0x170] =	vst v0  }
0x27: {  	[tilespmem:s24+$0x100] =	vst v0  }
0x28: {  	[tilespmem:s24+$0x110] =	vst v0  }
0x29: {  	[tilespmem:s24+$0x120] =	vst v0  }
0x2a: {  	[tilespmem:s24+$0x130] =	vst v0  }
0x2b: {  	[tilespmem:s24+$0x140] =	vst v0  }
0x2c: {  	[tilespmem:s24+$0x150] =	vst v0  }
0x2d: {  	[tilespmem:s24+$0x160] =	vst v0  }
0x2e: {  	[spmem:s6] =	stream.linear.scatter [tilespmem:s18], [sflag:$0x2], $0x4000, $0x38;
	[tilespmem:$0x1D100] =	vst v63  }
0x2f: {  	_ =	swait.ge [sflag:s17], $0x4000  }
0x30: {  	[sflag:s17] =	ssyncset.done $0x0  }
0x31: {  	[sflag:s17] =	ssyncadd.s32 $0xFFFFC000  }
0x32: {  	[spmem:s10] =	stream.linear.scatter [tilespmem:s18], [sflag:$0x2], $0x4000, $0x38;
	[tilespmem:$0x1D100] =	vst v63  }
0x33: {  	_ =	swait.ge [sflag:s17], $0x4000  }
0x34: {  	[sflag:s17] =	ssyncset.done $0x0  }
0x35: {  	[sflag:s17] =	ssyncadd.s32 $0xFFFFC000  }
0x36: {  	[spmem:s11] =	stream.linear.scatter [tilespmem:s18], [sflag:$0x2], $0x4000, $0x38;
	[tilespmem:$0x1D100] =	vst v63  }
0x37: {  	_ =	swait.ge [sflag:s17], $0x4000  }
0x38: {  	[sflag:s17] =	ssyncset.done $0x0  }
0x39: {  	[sflag:s17] =	ssyncadd.s32 $0xFFFFC000  }
0x3a: {  	[spmem:s12] =	stream.linear.scatter [tilespmem:s18], [sflag:$0x2], $0x4000, $0x38;
	[tilespmem:$0x1D100] =	vst v63  }
0x3b: {  	_ =	swait.ge [sflag:s17], $0x4000  }
0x3c: {  	[sflag:s17] =	ssyncset.done $0x0  }
0x3d: {  	[sflag:s17] =	ssyncadd.s32 $0xFFFFC000  }
0x3e: {  	[spmem:s13] =	stream.linear.scatter [tilespmem:s18], [sflag:$0x2], $0x4000, $0x38;
	[tilespmem:$0x1D100] =	vst v63  }
0x3f: {  	_ =	swait.ge [sflag:s17], $0x4000  }
0x40: {  	[sflag:s17] =	ssyncset.done $0x0  }
0x41: {  	[sflag:s17] =	ssyncadd.s32 $0xFFFFC000  }
0x42: {  	s24 =	simm.s32 $0x0;
	[bflag:$0x0] =	sbarrier.arrive $0xFFFF  }
.LBB2_6:
0x43: {  	s25 =	sadd.s32 s24, s15  }
0x44: {  	[tilespmem:s2], [sflag:$0x2] =	stream.linear.gather [hbm4b:s25+s2], $0x80, $0x38;
	[tilespmem:$0x1D100] =	vst v63  }
0x45: {  	_ =	swait.ge [sflag:s17], $0x80  }
0x46: {  	[sflag:s17] =	ssyncset.done $0x0  }
0x47: {  	s31 =	sadd.s32 s24, s14;
	[sflag:s17] =	ssyncadd.s32 $0xFFFFFF80  }
0x48: {  	[tilespmem:s19], [sflag:$0x2] =	stream.linear.gather [hbm4b:s31+s2], $0x80, $0x38;
	[tilespmem:$0x1D100] =	vst v63  }
0x49: {  	_ =	swait.ge [sflag:s17], $0x80  }
0x4a: {  	[sflag:s17] =	ssyncset.done $0x0  }
0x4b: {  	[sflag:s17] =	ssyncadd.s32 $0xFFFFFF80  }
0x4c: {  	[tilespmem:s18], [sflag:$0x1] =	stream.indirect.gather [hbm4b:s4+s19], $0x80, s2, s19, $0xb8;
	[tilespmem:$0x1D100] =	vst v63  }
0x4d: {  	_ =	swait.ge [sflag:s20], $0x4000  }
0x4e: {  	[sflag:s20] =	ssyncset.done $0x0  }
0x4f: {  	[sflag:s20] =	ssyncadd.s32 $0xFFFFC000  }
0x50: {  	[spmem:s1] =	stream.indirect.scatter.add.f32 [tilespmem:s18], [sflag:$0x2], $0x80, s19, s19, $0xb8;
	[tilespmem:$0x1D100] =	vst v63  }
0x51: {  	_ =	swait.ge [sflag:s17], $0x4000  }
0x52: {  	[sflag:s17] =	ssyncset.done $0x0  }
0x53: {  	[sflag:s17] =	ssyncadd.s32 $0xFFFFC000  }
0x54: {  	v1 =	vld [tilespmem:$0x0];
	_ =	sdelay $0x4  }
0x55: {  	v2 =	vld [tilespmem:$0x80];
	_ =	sdelay $0x2  }
0x56: {  	v1 =	vld.idx.msk [tilespmem:v1+s16+$0x0], $0xffff;
	_ =	sdelay $0x4  }
0x57: {  	[tilespmem:v2+s21+$0x0] =	vst.idx.add.f32.msk $0xffff, v1  }
0x58: {  	v1 =	vld [tilespmem:$0x10];
	_ =	sdelay $0x4  }
0x59: {  	v2 =	vld [tilespmem:$0x90];
	_ =	sdelay $0x2  }
0x5a: {  	v1 =	vld.idx.msk [tilespmem:v1+s16+$0x0], $0xffff;
	_ =	sdelay $0x4  }
0x5b: {  	[tilespmem:v2+s21+$0x0] =	vst.idx.add.f32.msk $0xffff, v1  }
0x5c: {  	v1 =	vld [tilespmem:$0x20];
	_ =	sdelay $0x4  }
0x5d: {  	v2 =	vld [tilespmem:$0xA0];
	_ =	sdelay $0x2  }
0x5e: {  	v1 =	vld.idx.msk [tilespmem:v1+s16+$0x0], $0xffff;
	_ =	sdelay $0x4  }
0x5f: {  	[tilespmem:v2+s21+$0x0] =	vst.idx.add.f32.msk $0xffff, v1  }
0x60: {  	v1 =	vld [tilespmem:$0x30];
	_ =	sdelay $0x4  }
0x61: {  	v2 =	vld [tilespmem:$0xB0];
	_ =	sdelay $0x2  }
0x62: {  	v1 =	vld.idx.msk [tilespmem:v1+s16+$0x0], $0xffff;
	_ =	sdelay $0x4  }
0x63: {  	[tilespmem:v2+s21+$0x0] =	vst.idx.add.f32.msk $0xffff, v1  }
0x64: {  	v1 =	vld [tilespmem:$0x40];
	_ =	sdelay $0x4  }
0x65: {  	v2 =	vld [tilespmem:$0xC0];
	_ =	sdelay $0x2  }
0x66: {  	v1 =	vld.idx.msk [tilespmem:v1+s16+$0x0], $0xffff;
	_ =	sdelay $0x4  }
0x67: {  	[tilespmem:v2+s21+$0x0] =	vst.idx.add.f32.msk $0xffff, v1  }
0x68: {  	v1 =	vld [tilespmem:$0x50];
	_ =	sdelay $0x4  }
0x69: {  	v2 =	vld [tilespmem:$0xD0];
	_ =	sdelay $0x2  }
0x6a: {  	v1 =	vld.idx.msk [tilespmem:v1+s16+$0x0], $0xffff;
	_ =	sdelay $0x4  }
0x6b: {  	[tilespmem:v2+s21+$0x0] =	vst.idx.add.f32.msk $0xffff, v1  }
0x6c: {  	v1 =	vld [tilespmem:$0x60];
	_ =	sdelay $0x4  }
0x6d: {  	v2 =	vld [tilespmem:$0xE0];
	_ =	sdelay $0x2  }
0x6e: {  	v1 =	vld.idx.msk [tilespmem:v1+s16+$0x0], $0xffff;
	_ =	sdelay $0x4  }
0x6f: {  	[tilespmem:v2+s21+$0x0] =	vst.idx.add.f32.msk $0xffff, v1  }
0x70: {  	v1 =	vld [tilespmem:$0x70];
	_ =	sdelay $0x4  }
0x71: {  	v2 =	vld [tilespmem:$0xF0];
	_ =	sdelay $0x2  }
0x72: {  	p0 =	sne.s32 s24, $0x4E0;
	v1 =	vld.idx.msk [tilespmem:v1+s16+$0x0], $0xffff  }
.Ltmp2:
0x73: {  	_ = 	snop;
	(pc) =	sbr.rel @p0 .LBB2_6-.Ltmp2, $2  }
0x74: {  	_ =	sdelay $0x2  }
0x75: {  	s24 =	sadd.s32 $0x10, s24;
	[tilespmem:v2+s21+$0x0] =	vst.idx.add.f32.msk $0xffff, v1  }
0x76: {  	s24 =	sshll.u32 s3, $0x6  }
0x77: {  	[bflag:$0x0] =	sbarrier.arrive $0xFFFF;
	s25 =	sshrl.u32 s6, $0x3;
	s24 =	sor.u32 $0x1C02, s24  }
0x78: {  	[hbm:s7], [sflag:s24] =	dma.local [spmem:s25], $0x2800  }
0x79: {  	s23 =	sadd.s32 $0x1, s23;
	_ =	swait.ge [sflag:s17], $0x2800  }
0x7a: {  	p0 =	sne.s32 s23, s9;
	[sflag:s17] =	ssyncset.done $0x0  }
.Ltmp3:
0x7b: {  	[sflag:s17] =	ssyncadd.s32 $0xFFFFD800;
	(pc) =	sbr.rel @p0 .LBB2_1-.Ltmp3, $4  }
0x7c: {  	[hbm4b:s8+s19] =	stream.strided.scatter [tilespmem:s21], [sflag:$0x2], $0x2800, s22, s19, $0x38;
	[tilespmem:$0x1D100] =	vst v63  }
0x7d: {  	_ =	swait.ge [sflag:s17], $0x2800  }
0x7e: {  	[sflag:s17] =	ssyncset.done $0x0  }
0x7f: {  	[sflag:s17] =	ssyncadd.s32 $0xFFFFD800  }
0x80: {  	_ =	sfence.sel $0x180000  }
0x81: {  	[bflag:$0x0] =	sbarrier.arrive $0xFFFF  }
0x82: {  	p0 =	sne.s32 s3, $0x0;
	_ =	strace $0x90000047  }
0x83: {  	s0 =	sadd.s32 @!p0 $0x100000, s0;
	[bflag:$0x2] =	sbarrier.arrive $0xFFFF  }
0x84: {  	[sflag:s0] =	ssyncadd.tile.s32 @!p0 $0x1;
	_ =	shalt  }
.Lfunc_end2:
_tile_overlayer_lowered:
.L_overlay_start_2:
0x85: {  	(tag) =	ssettag $0x2  }
0x86: {  	s0 =	rddreg [dreg:$0x0];
	s2 =	stileid.u32  }
0x87: {  	s1 =	rddreg [dreg:$0x1];
	p0 =	sne.s32 s2, $0x0  }
0x88: {  	s3 =	rddreg [dreg:$0x2];
	[bflag:$0x3] =	sbarrier.arrive $0xFFFF;
	s2 =	simm.s32 @!p0 $0x1C02  }
0x89: {  	[timem:s3], [sflag:s2] =	dma.local @!p0 [hbm:s0], s1  }
0x8a: {  	s0 =	simm.s32 @!p0 $0x2  }
0x8b: {  	_ =	swait.ge @!p0 [sflag:s0], s1  }
0x8c: {  	s1 =	ssub.s32 @!p0 $0x0, s1;
	[sflag:s0] =	ssyncset.done @!p0 $0x0  }
0x8d: {  	[sflag:s0] =	ssyncadd.s32 @!p0 s1  }
0x8e: {  	[bflag:$0x3] =	sbarrier.arrive $0xFFFF  }
0x8f: {  	_ =	shalt  }

</sc_bundles>
